<compile_context>
chip_gen: v7x
topology: tpu7x:2x2x1
jax: 0.10.2.dev20260603
libtpu: 0.0.44.dev20260713+nightly
codegen_flags: <defaults>
</compile_context>

<pallas_src>
import dataclasses
import functools

import jax
import jax.numpy as jnp
from jax.experimental import pallas as pl
from jax.experimental.pallas import tpu as pltpu
from jax.experimental.pallas import tpu_sc as plsc

_S = 512
_D = 128
_R = 512

_NEG_INF = float("-inf")


def _accum_segment(s, mask, xp, ep, att_ref, sum_ref, max_ref, den_ref):
    em = jnp.where(mask, ep, 0.0)
    att_ref[pl.ds(s, 1), :] += jnp.sum(em * xp, axis=0, keepdims=True)
    sum_ref[pl.ds(s, 1), :] += jnp.sum(
        jnp.where(mask, xp, 0.0), axis=0, keepdims=True)
    max_ref[pl.ds(s, 1), :] = jnp.maximum(
        max_ref[pl.ds(s, 1), :],
        jnp.max(jnp.where(mask, xp, _NEG_INF), axis=0, keepdims=True))
    den_ref[pl.ds(s, 1), :] += jnp.sum(em, axis=0, keepdims=True)


def _pool_kernel(sb_ref, b_ref, x_ref, gw_ref, gb_ref, cw_ref, cb_ref,
                 outa_ref, outs_ref,
                 att_ref, sum_ref, max_ref, den_ref,
                 xst_ref, est_ref, bst_ref):
    i = pl.program_id(0)
    nsteps = pl.num_programs(0)

    @pl.when(i == 0)
    def _init():
        att_ref[...] = jnp.zeros_like(att_ref)
        sum_ref[...] = jnp.zeros_like(sum_ref)
        max_ref[...] = jnp.full_like(max_ref, _NEG_INF)
        den_ref[...] = jnp.zeros_like(den_ref)
        est_ref[...] = jnp.zeros_like(est_ref)
        xst_ref[...] = jnp.zeros_like(xst_ref)
        bst_ref[...] = jnp.full_like(bst_ref, _S)

    xp = xst_ref[...]
    ep = est_ref[...]
    bp = bst_ref[...]

    x = x_ref[...]
    gate = jnp.dot(x, gw_ref[...], preferred_element_type=jnp.float32)
    e = jnp.exp(gate + gb_ref[0, 0])

    s_lo = sb_ref[i, 0]
    s_hi = sb_ref[i, 1]

    _accum_segment(s_lo, bp == s_lo, xp, ep,
                   att_ref, sum_ref, max_ref, den_ref)
    s1 = s_lo + 1
    _accum_segment(s1, bp == s1, xp, ep,
                   att_ref, sum_ref, max_ref, den_ref)

    xst_ref[...] = x
    est_ref[...] = e
    bb = b_ref[0]
    bst_ref[...] = jnp.concatenate(
        [jnp.transpose(bb[k:k + 1, :]) for k in range(_R // 128)], axis=0)

    @pl.when(s_hi > s_lo + 1)
    def _rest():
        def seg_body(s, carry):
            _accum_segment(s, bp == s, xp, ep,
                           att_ref, sum_ref, max_ref, den_ref)
            return carry

        jax.lax.fori_loop(s_lo + 2, s_hi + 1, seg_body, 0)

    @pl.when(i == nsteps - 1)
    def _finalize():
        att_pool = (att_ref[pl.ds(0, _S), :]
                    / jnp.maximum(den_ref[pl.ds(0, _S), :], 1e-16))
        mx = max_ref[pl.ds(0, _S), :]
        max_pool = jnp.where(mx == _NEG_INF, 0.0, mx)
        w_att = cw_ref[pl.ds(0, _D), :]
        w_max = cw_ref[pl.ds(2 * _D, _D), :]
        outa_ref[...] = (
            jnp.dot(att_pool, w_att, preferred_element_type=jnp.float32)
            + jnp.dot(max_pool, w_max, preferred_element_type=jnp.float32)
            + cb_ref[...])
        outs_ref[...] = sum_ref[pl.ds(0, _S), :]


@functools.partial(jax.jit, static_argnames=("interpret",))
def _pooling(x, batch, gate_W, gate_b, combine_W, combine_b, interpret=False):
    n = x.shape[0]
    nb = n // _R
    batch = batch.astype(jnp.int32)
    sb0 = jnp.full((1, 2), _S, dtype=jnp.int32)
    seg_bounds = jnp.concatenate(
        [sb0, jnp.stack([batch[::_R], batch[_R - 1::_R]], axis=1)], axis=0)
    bpack = batch.reshape(nb, _R // 128, 128)
    gb2 = gate_b.reshape(1, 1).astype(jnp.float32)
    cb2 = combine_b.reshape(1, _D).astype(jnp.float32)

    outa, outs = pl.pallas_call(
        _pool_kernel,
        grid=(nb + 1,),
        in_specs=[
            pl.BlockSpec(memory_space=pltpu.SMEM),
            pl.BlockSpec((1, _R // 128, 128),
                         lambda i: (jnp.minimum(i, nb - 1), 0, 0)),
            pl.BlockSpec((_R, _D), lambda i: (jnp.minimum(i, nb - 1), 0)),
            pl.BlockSpec((_D, 1), lambda i: (0, 0)),
            pl.BlockSpec((1, 1), lambda i: (0, 0)),
            pl.BlockSpec((3 * _D, _D), lambda i: (0, 0)),
            pl.BlockSpec((1, _D), lambda i: (0, 0)),
        ],
        out_specs=[pl.BlockSpec((_S, _D), lambda i: (0, 0)),
                   pl.BlockSpec((_S, _D), lambda i: (0, 0))],
        out_shape=[jax.ShapeDtypeStruct((_S, _D), jnp.float32),
                   jax.ShapeDtypeStruct((_S, _D), jnp.float32)],
        scratch_shapes=[
            pltpu.VMEM((_S + 2, _D), jnp.float32),
            pltpu.VMEM((_S + 2, _D), jnp.float32),
            pltpu.VMEM((_S + 2, _D), jnp.float32),
            pltpu.VMEM((_S + 2, 1), jnp.float32),
            pltpu.VMEM((_R, _D), jnp.float32),
            pltpu.VMEM((_R, 1), jnp.float32),
            pltpu.VMEM((_R, 1), jnp.int32),
        ],
        interpret=interpret,
    )(seg_bounds, bpack, x, gate_W, gb2, combine_W, cb2)

    cnt_sc = _sc_counts(batch)
    w_mean = combine_W[_D:2 * _D, :]
    return _merge(outa, outs, cnt_sc, w_mean)


_TEC = 32
_LANES = 16


def _sc_counts(b1d):
    n = b1d.shape[0]
    per_tec = n // _TEC
    nvec = per_tec // _LANES
    mesh = plsc.VectorSubcoreMesh(core_axis_name="c", subcore_axis_name="s")

    cp = pltpu.CompilerParams()
    if "needs_layout_passes" in pltpu.CompilerParams.__dataclass_fields__:
        cp = dataclasses.replace(cp, needs_layout_passes=False)

    @pl.kernel(
        out_type=jax.ShapeDtypeStruct((_TEC * _LANES, _S), jnp.float32),
        mesh=mesh,
        compiler_params=cp,
        scratch_types=[
            pltpu.VMEM((per_tec,), jnp.int32),
            pltpu.VMEM((_LANES, _S), jnp.float32),
        ],
    )
    def counts_kernel(b_hbm, o_hbm, bvm, tbl):
        cid = jax.lax.axis_index("c")
        sid = jax.lax.axis_index("s")
        tec = cid * 16 + sid
        pltpu.sync_copy(b_hbm.at[pl.ds(tec * per_tec, per_tec)], bvm)

        @pl.loop(0, _LANES)
        def _(r):
            @pl.loop(0, _S, step=_LANES)
            def _(c):
                tbl[r, pl.ds(c, _LANES)] = jnp.zeros((_LANES,), jnp.float32)

        lanes = jax.lax.iota(jnp.int32, _LANES)
        ones = jnp.ones((_LANES,), jnp.float32)

        @pl.loop(0, nvec)
        def _(j):
            ids = bvm[pl.ds(j * _LANES, _LANES)]
            plsc.addupdate_scatter(tbl, [lanes, ids], ones)

        pltpu.sync_copy(tbl, o_hbm.at[pl.ds(tec * _LANES, _LANES), :])

    return counts_kernel(b1d)


def _merge_kernel(a_ref, s_ref, c_ref, wm_ref, out_ref):
    cnt = jnp.transpose(jnp.sum(c_ref[...], axis=0, keepdims=True))
    mean_pool = s_ref[...] / jnp.maximum(cnt, 1.0)
    out_ref[...] = a_ref[...] + jnp.dot(mean_pool, wm_ref[...],
                                        preferred_element_type=jnp.float32)


def _merge(outa, outs, cnt_sc, w_mean):
    return pl.pallas_call(
        _merge_kernel,
        out_shape=jax.ShapeDtypeStruct((_S, _D), jnp.float32),
    )(outa, outs, cnt_sc, w_mean)


def kernel(x, batch, gate_W, gate_b, combine_W, combine_b):
    return _pooling(x, batch, gate_W, gate_b, combine_W, combine_b)

# --- scband reference (transcript-rebuilt; emitter-appended) ---
"""Pipeline reference for scband-adaptive-graph-pooling-36034775613468 (READ-ONLY COPY).

The authoritative reference and input builder live on the scoring server;
editing this copy changes nothing except your own understanding.
"""

import jax, jax.numpy as jnp
import numpy as np

NUM_SEGMENTS = 512


def setup_inputs(seed: int = 0) -> dict:
    key = jax.random.key(seed)
    k1, k2, k3, k4 = jax.random.split(key, 4)
    N, D = 320000, 128
    x = jax.random.normal(k1, (N, D), dtype=jnp.float32)
    batch = jnp.sort(jax.random.randint(k2, (N,), 0, NUM_SEGMENTS))
    gate_W = jax.random.normal(k3, (D, 1), dtype=jnp.float32) * (1.0 / np.sqrt(D))
    gate_b = jnp.zeros((1,), dtype=jnp.float32)
    combine_W = jax.random.normal(k4, (3 * D, D), dtype=jnp.float32) * (1.0 / np.sqrt(3 * D))
    combine_b = jnp.zeros((D,), dtype=jnp.float32)
    return {"x": x, "batch": batch, "gate_W": gate_W, "gate_b": gate_b,
            "combine_W": combine_W, "combine_b": combine_b}


def reference(x, batch, gate_W, gate_b, combine_W, combine_b):
    S = NUM_SEGMENTS
    N = x.shape[0]
    # GlobalAttention: gate = Linear(x); softmax over each segment; weighted segment sum
    gate = x @ gate_W + gate_b  # [N, 1]
    gmax = jax.ops.segment_max(gate, batch, num_segments=S)  # [S, 1]
    gmax = jnp.where(jnp.isfinite(gmax), gmax, 0.0)
    e = jnp.exp(gate - gmax[batch])
    denom = jax.ops.segment_sum(e, batch, num_segments=S)
    att = e / jnp.maximum(denom[batch], 1e-16)
    att_pool = jax.ops.segment_sum(att * x, batch, num_segments=S)  # [S, D]
    # global_mean_pool
    sums = jax.ops.segment_sum(x, batch, num_segments=S)
    counts = jax.ops.segment_sum(jnp.ones((N,), x.dtype), batch, num_segments=S)
    mean_pool = sums / jnp.maximum(counts, 1.0)[:, None]
    # global_max_pool
    max_pool = jax.ops.segment_max(x, batch, num_segments=S)
    max_pool = jnp.where(jnp.isfinite(max_pool), max_pool, 0.0)
    combined = jnp.concatenate([att_pool, mean_pool, max_pool], axis=1)  # [S, 3D]
    return combined @ combine_W + combine_b  # [S, D]

if __name__ == "__main__":
    import jax
    _d = setup_inputs()
    print(jax.jit(kernel)(*tuple(_d.values())))

</pallas_src>

<mosaic_0001>
#map = affine_map<(d0, d1) -> (0)>
#map1 = affine_map<(d0, d1) -> (0, 0)>
module attributes {stable_mosaic.version = 14 : i64} {
  func.func @counts_kernel(%arg0: i32, %arg1: i32, %arg2: memref<320000xi32, #tpu.memory_space<hbm>>, %arg3: memref<512x512xf32, #tpu.memory_space<hbm>>, %arg4: memref<10000xi32, #tpu.memory_space<vmem>>, %arg5: memref<16x512xf32, #tpu.memory_space<vmem>>) attributes {dimension_semantics = [#tpu.dimension_semantics<core_parallel>, #tpu.dimension_semantics<subcore_parallel>], iteration_bounds = array<i64: 2, 16>, scalar_prefetch = 0 : i64, scratch_operands = 2 : i64, tpu.core_type = #tpu.core_type<sc_vector_subcore>, window_params = [{transform_indices = #map}, {transform_indices = #map1}]} {
    %mul3A = arith.constant 16 : i32
    %mul3A_0 = arith.muli %arg0, %mul3A : i32
    %add3A = arith.addi %mul3A_0, %arg1 : i32
    %mul3A_1 = arith.constant 10000 : i32
    %mul3A_2 = arith.muli %add3A, %mul3A_1 : i32
    "tpu.region"() ({
      %run_scoped3A = tpu.sem_alloc : memref<!tpu.dma_semaphore, #tpu.memory_space<semaphore_mem>>
      %dma_start3A = tpu.memref_slice %arg2[%mul3A_2] : memref<320000xi32, #tpu.memory_space<hbm>> -> memref<10000xi32, #tpu.memory_space<hbm>>
      %dma_start3A_15 = tpu.memref_slice %arg2[%mul3A_2] : memref<320000xi32, #tpu.memory_space<hbm>> -> memref<10000xi32, #tpu.memory_space<hbm>>
      tpu.enqueue_dma source(%dma_start3A_15 : memref<10000xi32, #tpu.memory_space<hbm>>) target(%arg4 : memref<10000xi32, #tpu.memory_space<vmem>>) target_semaphore(%run_scoped3A : memref<!tpu.dma_semaphore, #tpu.memory_space<semaphore_mem>>)
      %dma_wait3A = tpu.memref_slice %arg2[%mul3A_2] : memref<320000xi32, #tpu.memory_space<hbm>> -> memref<10000xi32, #tpu.memory_space<hbm>>
      %dma_wait3A_16 = tpu.memref_slice %arg2[%mul3A_2] : memref<320000xi32, #tpu.memory_space<hbm>> -> memref<10000xi32, #tpu.memory_space<hbm>>
      tpu.wait_dma2 semaphore(%run_scoped3A : memref<!tpu.dma_semaphore, #tpu.memory_space<semaphore_mem>>) src(%dma_wait3A_16 : memref<10000xi32, #tpu.memory_space<hbm>>) dst(%arg4 : memref<10000xi32, #tpu.memory_space<vmem>>)
      tpu.yield
    }) : () -> ()
    %scan3A = arith.constant 0 : i32
    %scan3A_3 = arith.constant 16 : i32
    %scan3A_4 = arith.addi %scan3A, %scan3A_3 : i32
    %scan3A_5 = arith.constant 1 : i32
    scf.for %scan3A_15 = %scan3A to %scan3A_4 step %scan3A_5  : i32 {
      %mul3A_16 = arith.constant 1 : i32
      %mul3A_17 = arith.muli %scan3A_15, %mul3A_16 : i32
      %add3A_18 = arith.constant 0 : i32
      %add3A_19 = arith.addi %add3A_18, %mul3A_17 : i32
      %scan3A_20 = arith.constant 0 : i32
      %scan3A_21 = arith.constant 32 : i32
      %scan3A_22 = arith.addi %scan3A_20, %scan3A_21 : i32
      %scan3A_23 = arith.constant 1 : i32
      scf.for %scan3A_25 = %scan3A_20 to %scan3A_22 step %scan3A_23  : i32 {
        %mul3A_26 = arith.constant 16 : i32
        %mul3A_27 = arith.muli %scan3A_25, %mul3A_26 : i32
        %add3A_28 = arith.constant 0 : i32
        %add3A_29 = arith.addi %add3A_28, %mul3A_27 : i32
        %broadcast_in_dim3A_30 = arith.constant 0.000000e+00 : f32
        %broadcast_in_dim3A_31 = vector.broadcast %broadcast_in_dim3A_30 : f32 to vector<16xf32>
        %swap3A = arith.index_cast %add3A_19 : i32 to index
        %swap3A_32 = arith.index_cast %add3A_29 : i32 to index
        %swap3A_33 = tpu.vector_load %arg5[%swap3A, %swap3A_32] {strides = array<i32>} : memref<16x512xf32, #tpu.memory_space<vmem>>, vector<16xf32>,
        tpu.vector_store %arg5[%swap3A, %swap3A_32], %broadcast_in_dim3A_31 {strides = array<i32>} : memref<16x512xf32, #tpu.memory_space<vmem>>, vector<16xf32>,
      }
      %scan3A_24 = arith.constant 32 : i32
    }
    %scan3A_6 = arith.constant 16 : i32
    %iota3A = tpu.iota {dimensions = array<i32: 0>} : vector<16xi32>
    %broadcast_in_dim3A = arith.constant 1.000000e+00 : f32
    %broadcast_in_dim3A_7 = vector.broadcast %broadcast_in_dim3A : f32 to vector<16xf32>
    %scan3A_8 = arith.constant 0 : i32
    %scan3A_9 = arith.constant 625 : i32
    %scan3A_10 = arith.addi %scan3A_8, %scan3A_9 : i32
    %scan3A_11 = arith.constant 1 : i32
    scf.for %scan3A_15 = %scan3A_8 to %scan3A_10 step %scan3A_11  : i32 {
      %mul3A_16 = arith.constant 1 : i32
      %mul3A_17 = arith.muli %scan3A_15, %mul3A_16 : i32
      %add3A_18 = arith.constant 0 : i32
      %add3A_19 = arith.addi %add3A_18, %mul3A_17 : i32
      %mul3A_20 = arith.constant 16 : i32
      %mul3A_21 = arith.muli %add3A_19, %mul3A_20 : i32
      %get3A = arith.index_cast %mul3A_21 : i32 to index
      %get3A_22 = tpu.vector_load %arg4[%get3A] {strides = array<i32>} : memref<10000xi32, #tpu.memory_space<vmem>>, vector<16xi32>,
      tpu.vector_store_idx %arg5[%iota3A, %get3A_22], %broadcast_in_dim3A_7 {add = true} : memref<16x512xf32, #tpu.memory_space<vmem>>[vector<16xi32>, vector<16xi32>], vector<16xf32>,
    }
    %scan3A_12 = arith.constant 625 : i32
    %mul3A_13 = arith.constant 16 : i32
    %mul3A_14 = arith.muli %add3A, %mul3A_13 : i32
    "tpu.region"() ({
      %run_scoped3A = tpu.sem_alloc : memref<!tpu.dma_semaphore, #tpu.memory_space<semaphore_mem>>
      %dma_start3A = arith.constant 0 : i32
      %dma_start3A_15 = tpu.memref_slice %arg3[%mul3A_14, %dma_start3A] : memref<512x512xf32, #tpu.memory_space<hbm>> -> memref<16x512xf32, #tpu.memory_space<hbm>>
      %dma_start3A_16 = arith.constant 0 : i32
      %dma_start3A_17 = tpu.memref_slice %arg3[%mul3A_14, %dma_start3A_16] : memref<512x512xf32, #tpu.memory_space<hbm>> -> memref<16x512xf32, #tpu.memory_space<hbm>>
      tpu.enqueue_dma source(%arg5 : memref<16x512xf32, #tpu.memory_space<vmem>>) target(%dma_start3A_17 : memref<16x512xf32, #tpu.memory_space<hbm>>) target_semaphore(%run_scoped3A : memref<!tpu.dma_semaphore, #tpu.memory_space<semaphore_mem>>)
      %dma_wait3A = arith.constant 0 : i32
      %dma_wait3A_18 = tpu.memref_slice %arg3[%mul3A_14, %dma_wait3A] : memref<512x512xf32, #tpu.memory_space<hbm>> -> memref<16x512xf32, #tpu.memory_space<hbm>>
      %dma_wait3A_19 = arith.constant 0 : i32
      %dma_wait3A_20 = tpu.memref_slice %arg3[%mul3A_14, %dma_wait3A_19] : memref<512x512xf32, #tpu.memory_space<hbm>> -> memref<16x512xf32, #tpu.memory_space<hbm>>
      tpu.wait_dma2 semaphore(%run_scoped3A : memref<!tpu.dma_semaphore, #tpu.memory_space<semaphore_mem>>) src(%arg5 : memref<16x512xf32, #tpu.memory_space<vmem>>) dst(%dma_wait3A_20 : memref<16x512xf32, #tpu.memory_space<hbm>>)
      tpu.yield
    }) : () -> ()
    return
  }
}

module attributes {stable_mosaic.version = 14 : i64} {
  func.func @_pool_kernel(%arg0: i32, %arg1: memref<626x2xi32, #tpu.memory_space<smem>>, %arg2: memref<1x4x128xi32, #tpu.memory_space<vmem>>, %arg3: memref<512x128xf32, #tpu.memory_space<vmem>>, %arg4: memref<128x1xf32, #tpu.memory_space<vmem>>, %arg5: memref<1x1xf32, #tpu.memory_space<vmem>>, %arg6: memref<384x128xf32, #tpu.memory_space<vmem>>, %arg7: memref<1x128xf32, #tpu.memory_space<vmem>>, %arg8: memref<512x128xf32, #tpu.memory_space<vmem>>, %arg9: memref<512x128xf32, #tpu.memory_space<vmem>>, %arg10: memref<514x128xf32, #tpu.memory_space<vmem>>, %arg11: memref<514x128xf32, #tpu.memory_space<vmem>>, %arg12: memref<514x128xf32, #tpu.memory_space<vmem>>, %arg13: memref<514x1xf32, #tpu.memory_space<vmem>>, %arg14: memref<512x128xf32, #tpu.memory_space<vmem>>, %arg15: memref<512x1xf32, #tpu.memory_space<vmem>>, %arg16: memref<512x1xi32, #tpu.memory_space<vmem>>) attributes {dimension_semantics = [#tpu.dimension_semantics<arbitrary>], iteration_bounds = array<i64: 626>, scalar_prefetch = 0 : i64, scratch_operands = 7 : i64, tpu.core_type = #tpu.core_type<tc>, window_params = [{transform_indices = @transform_0, window_bounds = array<i64: 626, 2>}, {transform_indices = @transform_1, window_bounds = array<i64: 1, 4, 128>}, {transform_indices = @transform_2, window_bounds = array<i64: 512, 128>}, {pipeline_mode = #tpu.pipeline_mode<synchronous>, transform_indices = @transform_3, window_bounds = array<i64: 128, 1>}, {pipeline_mode = #tpu.pipeline_mode<synchronous>, transform_indices = @transform_4, window_bounds = array<i64: 1, 1>}, {pipeline_mode = #tpu.pipeline_mode<synchronous>, transform_indices = @transform_5, window_bounds = array<i64: 384, 128>}, {pipeline_mode = #tpu.pipeline_mode<synchronous>, transform_indices = @transform_6, window_bounds = array<i64: 1, 128>}, {pipeline_mode = #tpu.pipeline_mode<synchronous>, transform_indices = @transform_7, window_bounds = array<i64: 512, 128>}, {pipeline_mode = #tpu.pipeline_mode<synchronous>, transform_indices = @transform_8, window_bounds = array<i64: 512, 128>}]} {
    %eq3A = arith.constant 0 : i32
    %eq3A_0 = arith.cmpi eq, %arg0, %eq3A : i32
    %convert_element_type3A = arith.extui %eq3A_0 : i1 to i32
    %cond3A = arith.constant 0 : i32
    %cond3A_1 = arith.cmpi ne, %convert_element_type3A, %cond3A : i32
    scf.if %cond3A_1 {
      %broadcast_in_dim3A_166 = arith.constant 0.000000e+00 : f32
      %broadcast_in_dim3A_167 = vector.broadcast %broadcast_in_dim3A_166 : f32 to vector<514x128xf32>
      %swap3A_168 = arith.constant 0 : index
      %swap3A_169 = arith.constant 0 : index
      %swap3A_170 = vector.load %arg10[%swap3A_168, %swap3A_169] : memref<514x128xf32, #tpu.memory_space<vmem>>, vector<514x128xf32>
      tpu.vector_store %arg10[%swap3A_168, %swap3A_169], %broadcast_in_dim3A_167 {strides = array<i32>} : memref<514x128xf32, #tpu.memory_space<vmem>>, vector<514x128xf32>,
      %broadcast_in_dim3A_171 = arith.constant 0.000000e+00 : f32
      %broadcast_in_dim3A_172 = vector.broadcast %broadcast_in_dim3A_171 : f32 to vector<514x128xf32>
      %swap3A_173 = arith.constant 0 : index
      %swap3A_174 = arith.constant 0 : index
      %swap3A_175 = vector.load %arg11[%swap3A_173, %swap3A_174] : memref<514x128xf32, #tpu.memory_space<vmem>>, vector<514x128xf32>
      tpu.vector_store %arg11[%swap3A_173, %swap3A_174], %broadcast_in_dim3A_172 {strides = array<i32>} : memref<514x128xf32, #tpu.memory_space<vmem>>, vector<514x128xf32>,
      %broadcast_in_dim3A_176 = arith.constant 0xFF800000 : f32
      %broadcast_in_dim3A_177 = vector.broadcast %broadcast_in_dim3A_176 : f32 to vector<514x128xf32>
      %swap3A_178 = arith.constant 0 : index
      %swap3A_179 = arith.constant 0 : index
      %swap3A_180 = vector.load %arg12[%swap3A_178, %swap3A_179] : memref<514x128xf32, #tpu.memory_space<vmem>>, vector<514x128xf32>
      tpu.vector_store %arg12[%swap3A_178, %swap3A_179], %broadcast_in_dim3A_177 {strides = array<i32>} : memref<514x128xf32, #tpu.memory_space<vmem>>, vector<514x128xf32>,
      %broadcast_in_dim3A_181 = arith.constant 0.000000e+00 : f32
      %broadcast_in_dim3A_182 = vector.broadcast %broadcast_in_dim3A_181 : f32 to vector<514x1xf32>
      %swap3A_183 = arith.constant 0 : index
      %swap3A_184 = arith.constant 0 : index
      %swap3A_185 = vector.load %arg13[%swap3A_183, %swap3A_184] : memref<514x1xf32, #tpu.memory_space<vmem>>, vector<514x1xf32>
      tpu.vector_store %arg13[%swap3A_183, %swap3A_184], %broadcast_in_dim3A_182 {strides = array<i32>} : memref<514x1xf32, #tpu.memory_space<vmem>>, vector<514x1xf32>,
      %broadcast_in_dim3A_186 = arith.constant 0.000000e+00 : f32
      %broadcast_in_dim3A_187 = vector.broadcast %broadcast_in_dim3A_186 : f32 to vector<512x1xf32>
      %swap3A_188 = arith.constant 0 : index
      %swap3A_189 = arith.constant 0 : index
      %swap3A_190 = vector.load %arg15[%swap3A_188, %swap3A_189] : memref<512x1xf32, #tpu.memory_space<vmem>>, vector<512x1xf32>
      tpu.vector_store %arg15[%swap3A_188, %swap3A_189], %broadcast_in_dim3A_187 {strides = array<i32>} : memref<512x1xf32, #tpu.memory_space<vmem>>, vector<512x1xf32>,
      %broadcast_in_dim3A_191 = arith.constant 0.000000e+00 : f32
      %broadcast_in_dim3A_192 = vector.broadcast %broadcast_in_dim3A_191 : f32 to vector<512x128xf32>
      %swap3A_193 = arith.constant 0 : index
      %swap3A_194 = arith.constant 0 : index
      %swap3A_195 = vector.load %arg14[%swap3A_193, %swap3A_194] : memref<512x128xf32, #tpu.memory_space<vmem>>, vector<512x128xf32>
      tpu.vector_store %arg14[%swap3A_193, %swap3A_194], %broadcast_in_dim3A_192 {strides = array<i32>} : memref<512x128xf32, #tpu.memory_space<vmem>>, vector<512x128xf32>,
      %broadcast_in_dim3A_196 = arith.constant 512 : i32
      %broadcast_in_dim3A_197 = vector.broadcast %broadcast_in_dim3A_196 : i32 to vector<512x1xi32>
      %swap3A_198 = arith.constant 0 : index
      %swap3A_199 = arith.constant 0 : index
      %swap3A_200 = vector.load %arg16[%swap3A_198, %swap3A_199] : memref<512x1xi32, #tpu.memory_space<vmem>>, vector<512x1xi32>
      tpu.vector_store %arg16[%swap3A_198, %swap3A_199], %broadcast_in_dim3A_197 {strides = array<i32>} : memref<512x1xi32, #tpu.memory_space<vmem>>, vector<512x1xi32>,
    } else {
    }
    %get3A = arith.constant 0 : index
    %get3A_2 = arith.constant 0 : index
    %get3A_3 = vector.load %arg14[%get3A, %get3A_2] : memref<512x128xf32, #tpu.memory_space<vmem>>, vector<512x128xf32>
    %get3A_4 = arith.constant 0 : index
    %get3A_5 = arith.constant 0 : index
    %get3A_6 = vector.load %arg15[%get3A_4, %get3A_5] : memref<512x1xf32, #tpu.memory_space<vmem>>, vector<512x1xf32>
    %get3A_7 = arith.constant 0 : index
    %get3A_8 = arith.constant 0 : index
    %get3A_9 = vector.load %arg16[%get3A_7, %get3A_8] : memref<512x1xi32, #tpu.memory_space<vmem>>, vector<512x1xi32>
    %get3A_10 = arith.constant 0 : index
    %get3A_11 = arith.constant 0 : index
    %get3A_12 = vector.load %arg3[%get3A_10, %get3A_11] : memref<512x128xf32, #tpu.memory_space<vmem>>, vector<512x128xf32>
    %get3A_13 = arith.constant 0 : index
    %get3A_14 = arith.constant 0 : index
    %get3A_15 = vector.load %arg4[%get3A_13, %get3A_14] : memref<128x1xf32, #tpu.memory_space<vmem>>, vector<128x1xf32>
    %dot_general3A = arith.constant dense<0.000000e+00> : vector<512x1xf32>
    %dot_general3A_16 = tpu.matmul %get3A_12, %get3A_15, %dot_general3A {dimension_numbers = #tpu.dot_dimension_numbers<[1], [0], [0], [1], [0, 0, 1, 1], [], []>, transpose_lhs_hint = false} : vector<512x128xf32>, vector<128x1xf32>, vector<512x1xf32> -> vector<512x1xf32>
    %get3A_17 = arith.constant 0 : index
    %get3A_18 = arith.constant 0 : index
    %get3A_19 = vector.load %arg5[%get3A_17, %get3A_18] : memref<1x1xf32, #tpu.memory_space<vmem>>, vector<1x1xf32>
    %get3A_20 = vector.extract %get3A_19[0, 0] : f32 from vector<1x1xf32>
    %add3A = vector.broadcast %get3A_20 : f32 to vector<512x1xf32>
    %add3A_21 = arith.addf %dot_general3A_16, %add3A : vector<512x1xf32>
    %exp3A = math.exp %add3A_21 : vector<512x1xf32>
    %get3A_22 = arith.index_cast %arg0 : i32 to index
    %get3A_23 = arith.constant 0 : index
    %get3A_24 = memref.load %arg1[%get3A_22, %get3A_23] : memref<626x2xi32, #tpu.memory_space<smem>>
    %get3A_25 = arith.index_cast %arg0 : i32 to index
    %get3A_26 = arith.constant 1 : index
    %get3A_27 = memref.load %arg1[%get3A_25, %get3A_26] : memref<626x2xi32, #tpu.memory_space<smem>>
    %eq3A_28 = vector.broadcast %get3A_24 : i32 to vector<512x1xi32>
    %eq3A_29 = arith.cmpi eq, %get3A_9, %eq3A_28 : vector<512x1xi32>
    %jit3A = arith.constant 0.000000e+00 : f32
    %broadcast_in_dim3A = vector.broadcast %jit3A : f32 to vector<512x1xf32>
    %select_n3A = arith.select %eq3A_29, %get3A_6, %broadcast_in_dim3A : vector<512x1xi1>, vector<512x1xf32>
    %get3A_30 = arith.index_cast %get3A_24 : i32 to index
    %get3A_31 = arith.constant 0 : index
    %get3A_32 = vector.load %arg10[%get3A_30, %get3A_31] : memref<514x128xf32, #tpu.memory_space<vmem>>, vector<1x128xf32>
    %mul3A = vector.broadcast %select_n3A : vector<512x1xf32> to vector<512x128xf32>
    %mul3A_33 = arith.mulf %mul3A, %get3A_3 : vector<512x128xf32>
    %reduce_sum3A = arith.constant dense<0.000000e+00> : vector<128xf32>
    %reduce_sum3A_34 = vector.multi_reduction <add>, %mul3A_33, %reduce_sum3A [0] : vector<512x128xf32> to vector<128xf32>
    %broadcast_in_dim3A_35 = vector.shape_cast %reduce_sum3A_34 : vector<128xf32> to vector<1x128xf32>
    %add3A_36 = arith.addf %get3A_32, %broadcast_in_dim3A_35 : vector<1x128xf32>
    %swap3A = arith.index_cast %get3A_24 : i32 to index
    %swap3A_37 = arith.constant 0 : index
    %swap3A_38 = vector.load %arg10[%swap3A, %swap3A_37] : memref<514x128xf32, #tpu.memory_space<vmem>>, vector<1x128xf32>
    tpu.vector_store %arg10[%swap3A, %swap3A_37], %add3A_36 {strides = array<i32>} : memref<514x128xf32, #tpu.memory_space<vmem>>, vector<1x128xf32>,
    %get3A_39 = arith.index_cast %get3A_24 : i32 to index
    %get3A_40 = arith.constant 0 : index
    %get3A_41 = vector.load %arg11[%get3A_39, %get3A_40] : memref<514x128xf32, #tpu.memory_space<vmem>>, vector<1x128xf32>
    %jit3A_42 = arith.constant 0.000000e+00 : f32
    %broadcast_in_dim3A_43 = vector.shape_cast %eq3A_29 : vector<512x1xi1> to vector<512x1xi1>
    %broadcast_in_dim3A_44 = vector.broadcast %broadcast_in_dim3A_43 : vector<512x1xi1> to vector<512x128xi1>
    %broadcast_in_dim3A_45 = vector.broadcast %jit3A_42 : f32 to vector<512x128xf32>
    %select_n3A_46 = arith.select %broadcast_in_dim3A_44, %get3A_3, %broadcast_in_dim3A_45 : vector<512x128xi1>, vector<512x128xf32>
    %reduce_sum3A_47 = arith.constant dense<0.000000e+00> : vector<128xf32>
    %reduce_sum3A_48 = vector.multi_reduction <add>, %select_n3A_46, %reduce_sum3A_47 [0] : vector<512x128xf32> to vector<128xf32>
    %broadcast_in_dim3A_49 = vector.shape_cast %reduce_sum3A_48 : vector<128xf32> to vector<1x128xf32>
    %add3A_50 = arith.addf %get3A_41, %broadcast_in_dim3A_49 : vector<1x128xf32>
    %swap3A_51 = arith.index_cast %get3A_24 : i32 to index
    %swap3A_52 = arith.constant 0 : index
    %swap3A_53 = vector.load %arg11[%swap3A_51, %swap3A_52] : memref<514x128xf32, #tpu.memory_space<vmem>>, vector<1x128xf32>
    tpu.vector_store %arg11[%swap3A_51, %swap3A_52], %add3A_50 {strides = array<i32>} : memref<514x128xf32, #tpu.memory_space<vmem>>, vector<1x128xf32>,
    %get3A_54 = arith.index_cast %get3A_24 : i32 to index
    %get3A_55 = arith.constant 0 : index
    %get3A_56 = vector.load %arg12[%get3A_54, %get3A_55] : memref<514x128xf32, #tpu.memory_space<vmem>>, vector<1x128xf32>
    %jit3A_57 = arith.constant 0xFF800000 : f32
    %broadcast_in_dim3A_58 = vector.shape_cast %eq3A_29 : vector<512x1xi1> to vector<512x1xi1>
    %broadcast_in_dim3A_59 = vector.broadcast %broadcast_in_dim3A_58 : vector<512x1xi1> to vector<512x128xi1>
    %broadcast_in_dim3A_60 = vector.broadcast %jit3A_57 : f32 to vector<512x128xf32>
    %select_n3A_61 = arith.select %broadcast_in_dim3A_59, %get3A_3, %broadcast_in_dim3A_60 : vector<512x128xi1>, vector<512x128xf32>
    %reduce_max3A = arith.constant dense<0xFF800000> : vector<128xf32>
    %reduce_max3A_62 = vector.multi_reduction <maximumf>, %select_n3A_61, %reduce_max3A [0] : vector<512x128xf32> to vector<128xf32>
    %broadcast_in_dim3A_63 = vector.shape_cast %reduce_max3A_62 : vector<128xf32> to vector<1x128xf32>
    %max3A = arith.maximumf %get3A_56, %broadcast_in_dim3A_63 : vector<1x128xf32>
    %swap3A_64 = arith.index_cast %get3A_24 : i32 to index
    %swap3A_65 = arith.constant 0 : index
    %swap3A_66 = vector.load %arg12[%swap3A_64, %swap3A_65] : memref<514x128xf32, #tpu.memory_space<vmem>>, vector<1x128xf32>
    tpu.vector_store %arg12[%swap3A_64, %swap3A_65], %max3A {strides = array<i32>} : memref<514x128xf32, #tpu.memory_space<vmem>>, vector<1x128xf32>,
    %get3A_67 = arith.index_cast %get3A_24 : i32 to index
    %get3A_68 = arith.constant 0 : index
    %get3A_69 = vector.load %arg13[%get3A_67, %get3A_68] : memref<514x1xf32, #tpu.memory_space<vmem>>, vector<1x1xf32>
    %reduce_sum3A_70 = arith.constant dense<0.000000e+00> : vector<1xf32>
    %reduce_sum3A_71 = vector.multi_reduction <add>, %select_n3A, %reduce_sum3A_70 [0] : vector<512x1xf32> to vector<1xf32>
    %broadcast_in_dim3A_72 = vector.shape_cast %reduce_sum3A_71 : vector<1xf32> to vector<1x1xf32>
    %add3A_73 = arith.addf %get3A_69, %broadcast_in_dim3A_72 : vector<1x1xf32>
    %swap3A_74 = arith.index_cast %get3A_24 : i32 to index
    %swap3A_75 = arith.constant 0 : index
    %swap3A_76 = vector.load %arg13[%swap3A_74, %swap3A_75] : memref<514x1xf32, #tpu.memory_space<vmem>>, vector<1x1xf32>
    tpu.vector_store %arg13[%swap3A_74, %swap3A_75], %add3A_73 {strides = array<i32>} : memref<514x1xf32, #tpu.memory_space<vmem>>, vector<1x1xf32>,
    %add3A_77 = arith.constant 1 : i32
    %add3A_78 = arith.addi %get3A_24, %add3A_77 : i32
    %eq3A_79 = vector.broadcast %add3A_78 : i32 to vector<512x1xi32>
    %eq3A_80 = arith.cmpi eq, %get3A_9, %eq3A_79 : vector<512x1xi32>
    %jit3A_81 = arith.constant 0.000000e+00 : f32
    %broadcast_in_dim3A_82 = vector.broadcast %jit3A_81 : f32 to vector<512x1xf32>
    %select_n3A_83 = arith.select %eq3A_80, %get3A_6, %broadcast_in_dim3A_82 : vector<512x1xi1>, vector<512x1xf32>
    %get3A_84 = arith.index_cast %add3A_78 : i32 to index
    %get3A_85 = arith.constant 0 : index
    %get3A_86 = vector.load %arg10[%get3A_84, %get3A_85] : memref<514x128xf32, #tpu.memory_space<vmem>>, vector<1x128xf32>
    %mul3A_87 = vector.broadcast %select_n3A_83 : vector<512x1xf32> to vector<512x128xf32>
    %mul3A_88 = arith.mulf %mul3A_87, %get3A_3 : vector<512x128xf32>
    %reduce_sum3A_89 = arith.constant dense<0.000000e+00> : vector<128xf32>
    %reduce_sum3A_90 = vector.multi_reduction <add>, %mul3A_88, %reduce_sum3A_89 [0] : vector<512x128xf32> to vector<128xf32>
    %broadcast_in_dim3A_91 = vector.shape_cast %reduce_sum3A_90 : vector<128xf32> to vector<1x128xf32>
    %add3A_92 = arith.addf %get3A_86, %broadcast_in_dim3A_91 : vector<1x128xf32>
    %swap3A_93 = arith.index_cast %add3A_78 : i32 to index
    %swap3A_94 = arith.constant 0 : index
    %swap3A_95 = vector.load %arg10[%swap3A_93, %swap3A_94] : memref<514x128xf32, #tpu.memory_space<vmem>>, vector<1x128xf32>
    tpu.vector_store %arg10[%swap3A_93, %swap3A_94], %add3A_92 {strides = array<i32>} : memref<514x128xf32, #tpu.memory_space<vmem>>, vector<1x128xf32>,
    %get3A_96 = arith.index_cast %add3A_78 : i32 to index
    %get3A_97 = arith.constant 0 : index
    %get3A_98 = vector.load %arg11[%get3A_96, %get3A_97] : memref<514x128xf32, #tpu.memory_space<vmem>>, vector<1x128xf32>
    %jit3A_99 = arith.constant 0.000000e+00 : f32
    %broadcast_in_dim3A_100 = vector.shape_cast %eq3A_80 : vector<512x1xi1> to vector<512x1xi1>
    %broadcast_in_dim3A_101 = vector.broadcast %broadcast_in_dim3A_100 : vector<512x1xi1> to vector<512x128xi1>
    %broadcast_in_dim3A_102 = vector.broadcast %jit3A_99 : f32 to vector<512x128xf32>
    %select_n3A_103 = arith.select %broadcast_in_dim3A_101, %get3A_3, %broadcast_in_dim3A_102 : vector<512x128xi1>, vector<512x128xf32>
    %reduce_sum3A_104 = arith.constant dense<0.000000e+00> : vector<128xf32>
    %reduce_sum3A_105 = vector.multi_reduction <add>, %select_n3A_103, %reduce_sum3A_104 [0] : vector<512x128xf32> to vector<128xf32>
    %broadcast_in_dim3A_106 = vector.shape_cast %reduce_sum3A_105 : vector<128xf32> to vector<1x128xf32>
    %add3A_107 = arith.addf %get3A_98, %broadcast_in_dim3A_106 : vector<1x128xf32>
    %swap3A_108 = arith.index_cast %add3A_78 : i32 to index
    %swap3A_109 = arith.constant 0 : index
    %swap3A_110 = vector.load %arg11[%swap3A_108, %swap3A_109] : memref<514x128xf32, #tpu.memory_space<vmem>>, vector<1x128xf32>
    tpu.vector_store %arg11[%swap3A_108, %swap3A_109], %add3A_107 {strides = array<i32>} : memref<514x128xf32, #tpu.memory_space<vmem>>, vector<1x128xf32>,
    %get3A_111 = arith.index_cast %add3A_78 : i32 to index
    %get3A_112 = arith.constant 0 : index
    %get3A_113 = vector.load %arg12[%get3A_111, %get3A_112] : memref<514x128xf32, #tpu.memory_space<vmem>>, vector<1x128xf32>
    %jit3A_114 = arith.constant 0xFF800000 : f32
    %broadcast_in_dim3A_115 = vector.shape_cast %eq3A_80 : vector<512x1xi1> to vector<512x1xi1>
    %broadcast_in_dim3A_116 = vector.broadcast %broadcast_in_dim3A_115 : vector<512x1xi1> to vector<512x128xi1>
    %broadcast_in_dim3A_117 = vector.broadcast %jit3A_114 : f32 to vector<512x128xf32>
    %select_n3A_118 = arith.select %broadcast_in_dim3A_116, %get3A_3, %broadcast_in_dim3A_117 : vector<512x128xi1>, vector<512x128xf32>
    %reduce_max3A_119 = arith.constant dense<0xFF800000> : vector<128xf32>
    %reduce_max3A_120 = vector.multi_reduction <maximumf>, %select_n3A_118, %reduce_max3A_119 [0] : vector<512x128xf32> to vector<128xf32>
    %broadcast_in_dim3A_121 = vector.shape_cast %reduce_max3A_120 : vector<128xf32> to vector<1x128xf32>
    %max3A_122 = arith.maximumf %get3A_113, %broadcast_in_dim3A_121 : vector<1x128xf32>
    %swap3A_123 = arith.index_cast %add3A_78 : i32 to index
    %swap3A_124 = arith.constant 0 : index
    %swap3A_125 = vector.load %arg12[%swap3A_123, %swap3A_124] : memref<514x128xf32, #tpu.memory_space<vmem>>, vector<1x128xf32>
    tpu.vector_store %arg12[%swap3A_123, %swap3A_124], %max3A_122 {strides = array<i32>} : memref<514x128xf32, #tpu.memory_space<vmem>>, vector<1x128xf32>,
    %get3A_126 = arith.index_cast %add3A_78 : i32 to index
    %get3A_127 = arith.constant 0 : index
    %get3A_128 = vector.load %arg13[%get3A_126, %get3A_127] : memref<514x1xf32, #tpu.memory_space<vmem>>, vector<1x1xf32>
    %reduce_sum3A_129 = arith.constant dense<0.000000e+00> : vector<1xf32>
    %reduce_sum3A_130 = vector.multi_reduction <add>, %select_n3A_83, %reduce_sum3A_129 [0] : vector<512x1xf32> to vector<1xf32>
    %broadcast_in_dim3A_131 = vector.shape_cast %reduce_sum3A_130 : vector<1xf32> to vector<1x1xf32>
    %add3A_132 = arith.addf %get3A_128, %broadcast_in_dim3A_131 : vector<1x1xf32>
    %swap3A_133 = arith.index_cast %add3A_78 : i32 to index
    %swap3A_134 = arith.constant 0 : index
    %swap3A_135 = vector.load %arg13[%swap3A_133, %swap3A_134] : memref<514x1xf32, #tpu.memory_space<vmem>>, vector<1x1xf32>
    tpu.vector_store %arg13[%swap3A_133, %swap3A_134], %add3A_132 {strides = array<i32>} : memref<514x1xf32, #tpu.memory_space<vmem>>, vector<1x1xf32>,
    %swap3A_136 = arith.constant 0 : index
    %swap3A_137 = arith.constant 0 : index
    %swap3A_138 = vector.load %arg14[%swap3A_136, %swap3A_137] : memref<512x128xf32, #tpu.memory_space<vmem>>, vector<512x128xf32>
    tpu.vector_store %arg14[%swap3A_136, %swap3A_137], %get3A_12 {strides = array<i32>} : memref<512x128xf32, #tpu.memory_space<vmem>>, vector<512x128xf32>,
    %swap3A_139 = arith.constant 0 : index
    %swap3A_140 = arith.constant 0 : index
    %swap3A_141 = vector.load %arg15[%swap3A_139, %swap3A_140] : memref<512x1xf32, #tpu.memory_space<vmem>>, vector<512x1xf32>
    tpu.vector_store %arg15[%swap3A_139, %swap3A_140], %exp3A {strides = array<i32>} : memref<512x1xf32, #tpu.memory_space<vmem>>, vector<512x1xf32>,
    %get3A_142 = arith.constant 0 : index
    %get3A_143 = arith.constant 0 : index
    %get3A_144 = arith.constant 0 : index
    %get3A_145 = vector.load %arg2[%get3A_142, %get3A_143, %get3A_144] : memref<1x4x128xi32, #tpu.memory_space<vmem>>, vector<1x4x128xi32>
    %get3A_146 = vector.shape_cast %get3A_145 : vector<1x4x128xi32> to vector<4x128xi32>
    %slice3A = vector.extract_strided_slice %get3A_146 {offsets = [0, 0], sizes = [1, 128], strides = [1, 1]} : vector<4x128xi32> to vector<1x128xi32>
    %transpose3A = tpu.transpose %slice3A, [1, 0] : vector<1x128xi32> -> vector<128x1xi32>
    %slice3A_147 = vector.extract_strided_slice %get3A_146 {offsets = [1, 0], sizes = [1, 128], strides = [1, 1]} : vector<4x128xi32> to vector<1x128xi32>
    %transpose3A_148 = tpu.transpose %slice3A_147, [1, 0] : vector<1x128xi32> -> vector<128x1xi32>
    %slice3A_149 = vector.extract_strided_slice %get3A_146 {offsets = [2, 0], sizes = [1, 128], strides = [1, 1]} : vector<4x128xi32> to vector<1x128xi32>
    %transpose3A_150 = tpu.transpose %slice3A_149, [1, 0] : vector<1x128xi32> -> vector<128x1xi32>
    %slice3A_151 = vector.extract_strided_slice %get3A_146 {offsets = [3, 0], sizes = [1, 128], strides = [1, 1]} : vector<4x128xi32> to vector<1x128xi32>
    %transpose3A_152 = tpu.transpose %slice3A_151, [1, 0] : vector<1x128xi32> -> vector<128x1xi32>
    %concatenate3A = tpu.concatenate %transpose3A, %transpose3A_148, %transpose3A_150, %transpose3A_152 in 0 : vector<128x1xi32>, vector<128x1xi32>, vector<128x1xi32>, vector<128x1xi32> -> vector<512x1xi32>
    %swap3A_153 = arith.constant 0 : index
    %swap3A_154 = arith.constant 0 : index
    %swap3A_155 = vector.load %arg16[%swap3A_153, %swap3A_154] : memref<512x1xi32, #tpu.memory_space<vmem>>, vector<512x1xi32>
    tpu.vector_store %arg16[%swap3A_153, %swap3A_154], %concatenate3A {strides = array<i32>} : memref<512x1xi32, #tpu.memory_space<vmem>>, vector<512x1xi32>,
    %add3A_156 = arith.constant 1 : i32
    %add3A_157 = arith.addi %get3A_24, %add3A_156 : i32
    %gt3A = arith.cmpi sgt, %get3A_27, %add3A_157 : i32
    %convert_element_type3A_158 = arith.extui %gt3A : i1 to i32
    %cond3A_159 = arith.constant 0 : i32
    %cond3A_160 = arith.cmpi ne, %convert_element_type3A_158, %cond3A_159 : i32
    scf.if %cond3A_160 {
      %add3A_166 = arith.constant 2 : i32
      %add3A_167 = arith.addi %get3A_24, %add3A_166 : i32
      %add3A_168 = arith.constant 1 : i32
      %add3A_169 = arith.addi %get3A_27, %add3A_168 : i32
      %while3A = arith.constant 0 : i32
      %while3A_170 = arith.subi %add3A_169, %add3A_167 : i32
      %while3A_171 = arith.addi %add3A_167, %while3A_170 : i32
      %while3A_172 = arith.constant 1 : i32
      %while3A_173 = arith.divsi %while3A_170, %while3A_172 : i32
      %while3A_174 = arith.muli %while3A_173, %while3A_172 : i32
      %while3A_175 = arith.addi %add3A_167, %while3A_174 : i32
      %while3A_176 = arith.constant 1 : i32
      scf.for %while3A_178 = %add3A_167 to %while3A_175 step %while3A_176  : i32 {
        %eq3A_179 = vector.broadcast %while3A_178 : i32 to vector<512x1xi32>
        %eq3A_180 = arith.cmpi eq, %get3A_9, %eq3A_179 : vector<512x1xi32>
        %jit3A_181 = arith.constant 0.000000e+00 : f32
        %broadcast_in_dim3A_182 = vector.broadcast %jit3A_181 : f32 to vector<512x1xf32>
        %select_n3A_183 = arith.select %eq3A_180, %get3A_6, %broadcast_in_dim3A_182 : vector<512x1xi1>, vector<512x1xf32>
        %get3A_184 = arith.index_cast %while3A_178 : i32 to index
        %get3A_185 = arith.constant 0 : index
        %get3A_186 = vector.load %arg10[%get3A_184, %get3A_185] : memref<514x128xf32, #tpu.memory_space<vmem>>, vector<1x128xf32>
        %mul3A_187 = vector.broadcast %select_n3A_183 : vector<512x1xf32> to vector<512x128xf32>
        %mul3A_188 = arith.mulf %mul3A_187, %get3A_3 : vector<512x128xf32>
        %reduce_sum3A_189 = arith.constant dense<0.000000e+00> : vector<128xf32>
        %reduce_sum3A_190 = vector.multi_reduction <add>, %mul3A_188, %reduce_sum3A_189 [0] : vector<512x128xf32> to vector<128xf32>
        %broadcast_in_dim3A_191 = vector.shape_cast %reduce_sum3A_190 : vector<128xf32> to vector<1x128xf32>
        %add3A_192 = arith.addf %get3A_186, %broadcast_in_dim3A_191 : vector<1x128xf32>
        %swap3A_193 = arith.index_cast %while3A_178 : i32 to index
        %swap3A_194 = arith.constant 0 : index
        %swap3A_195 = vector.load %arg10[%swap3A_193, %swap3A_194] : memref<514x128xf32, #tpu.memory_space<vmem>>, vector<1x128xf32>
        tpu.vector_store %arg10[%swap3A_193, %swap3A_194], %add3A_192 {strides = array<i32>} : memref<514x128xf32, #tpu.memory_space<vmem>>, vector<1x128xf32>,
        %get3A_196 = arith.index_cast %while3A_178 : i32 to index
        %get3A_197 = arith.constant 0 : index
        %get3A_198 = vector.load %arg11[%get3A_196, %get3A_197] : memref<514x128xf32, #tpu.memory_space<vmem>>, vector<1x128xf32>
        %jit3A_199 = arith.constant 0.000000e+00 : f32
        %broadcast_in_dim3A_200 = vector.shape_cast %eq3A_180 : vector<512x1xi1> to vector<512x1xi1>
        %broadcast_in_dim3A_201 = vector.broadcast %broadcast_in_dim3A_200 : vector<512x1xi1> to vector<512x128xi1>
        %broadcast_in_dim3A_202 = vector.broadcast %jit3A_199 : f32 to vector<512x128xf32>
        %select_n3A_203 = arith.select %broadcast_in_dim3A_201, %get3A_3, %broadcast_in_dim3A_202 : vector<512x128xi1>, vector<512x128xf32>
        %reduce_sum3A_204 = arith.constant dense<0.000000e+00> : vector<128xf32>
        %reduce_sum3A_205 = vector.multi_reduction <add>, %select_n3A_203, %reduce_sum3A_204 [0] : vector<512x128xf32> to vector<128xf32>
        %broadcast_in_dim3A_206 = vector.shape_cast %reduce_sum3A_205 : vector<128xf32> to vector<1x128xf32>
        %add3A_207 = arith.addf %get3A_198, %broadcast_in_dim3A_206 : vector<1x128xf32>
        %swap3A_208 = arith.index_cast %while3A_178 : i32 to index
        %swap3A_209 = arith.constant 0 : index
        %swap3A_210 = vector.load %arg11[%swap3A_208, %swap3A_209] : memref<514x128xf32, #tpu.memory_space<vmem>>, vector<1x128xf32>
        tpu.vector_store %arg11[%swap3A_208, %swap3A_209], %add3A_207 {strides = array<i32>} : memref<514x128xf32, #tpu.memory_space<vmem>>, vector<1x128xf32>,
        %get3A_211 = arith.index_cast %while3A_178 : i32 to index
        %get3A_212 = arith.constant 0 : index
        %get3A_213 = vector.load %arg12[%get3A_211, %get3A_212] : memref<514x128xf32, #tpu.memory_space<vmem>>, vector<1x128xf32>
        %jit3A_214 = arith.constant 0xFF800000 : f32
        %broadcast_in_dim3A_215 = vector.shape_cast %eq3A_180 : vector<512x1xi1> to vector<512x1xi1>
        %broadcast_in_dim3A_216 = vector.broadcast %broadcast_in_dim3A_215 : vector<512x1xi1> to vector<512x128xi1>
        %broadcast_in_dim3A_217 = vector.broadcast %jit3A_214 : f32 to vector<512x128xf32>
        %select_n3A_218 = arith.select %broadcast_in_dim3A_216, %get3A_3, %broadcast_in_dim3A_217 : vector<512x128xi1>, vector<512x128xf32>
        %reduce_max3A_219 = arith.constant dense<0xFF800000> : vector<128xf32>
        %reduce_max3A_220 = vector.multi_reduction <maximumf>, %select_n3A_218, %reduce_max3A_219 [0] : vector<512x128xf32> to vector<128xf32>
        %broadcast_in_dim3A_221 = vector.shape_cast %reduce_max3A_220 : vector<128xf32> to vector<1x128xf32>
        %max3A_222 = arith.maximumf %get3A_213, %broadcast_in_dim3A_221 : vector<1x128xf32>
        %swap3A_223 = arith.index_cast %while3A_178 : i32 to index
        %swap3A_224 = arith.constant 0 : index
        %swap3A_225 = vector.load %arg12[%swap3A_223, %swap3A_224] : memref<514x128xf32, #tpu.memory_space<vmem>>, vector<1x128xf32>
        tpu.vector_store %arg12[%swap3A_223, %swap3A_224], %max3A_222 {strides = array<i32>} : memref<514x128xf32, #tpu.memory_space<vmem>>, vector<1x128xf32>,
        %get3A_226 = arith.index_cast %while3A_178 : i32 to index
        %get3A_227 = arith.constant 0 : index
        %get3A_228 = vector.load %arg13[%get3A_226, %get3A_227] : memref<514x1xf32, #tpu.memory_space<vmem>>, vector<1x1xf32>
        %reduce_sum3A_229 = arith.constant dense<0.000000e+00> : vector<1xf32>
        %reduce_sum3A_230 = vector.multi_reduction <add>, %select_n3A_183, %reduce_sum3A_229 [0] : vector<512x1xf32> to vector<1xf32>
        %broadcast_in_dim3A_231 = vector.shape_cast %reduce_sum3A_230 : vector<1xf32> to vector<1x1xf32>
        %add3A_232 = arith.addf %get3A_228, %broadcast_in_dim3A_231 : vector<1x1xf32>
        %swap3A_233 = arith.index_cast %while3A_178 : i32 to index
        %swap3A_234 = arith.constant 0 : index
        %swap3A_235 = vector.load %arg13[%swap3A_233, %swap3A_234] : memref<514x1xf32, #tpu.memory_space<vmem>>, vector<1x1xf32>
        tpu.vector_store %arg13[%swap3A_233, %swap3A_234], %add3A_232 {strides = array<i32>} : memref<514x1xf32, #tpu.memory_space<vmem>>, vector<1x1xf32>,
      }
      %while3A_177 = arith.constant 1 : i32
      scf.for %while3A_178 = %while3A_175 to %while3A_171 step %while3A_177  : i32 {
        %eq3A_179 = vector.broadcast %while3A_178 : i32 to vector<512x1xi32>
        %eq3A_180 = arith.cmpi eq, %get3A_9, %eq3A_179 : vector<512x1xi32>
        %jit3A_181 = arith.constant 0.000000e+00 : f32
        %broadcast_in_dim3A_182 = vector.broadcast %jit3A_181 : f32 to vector<512x1xf32>
        %select_n3A_183 = arith.select %eq3A_180, %get3A_6, %broadcast_in_dim3A_182 : vector<512x1xi1>, vector<512x1xf32>
        %get3A_184 = arith.index_cast %while3A_178 : i32 to index
        %get3A_185 = arith.constant 0 : index
        %get3A_186 = vector.load %arg10[%get3A_184, %get3A_185] : memref<514x128xf32, #tpu.memory_space<vmem>>, vector<1x128xf32>
        %mul3A_187 = vector.broadcast %select_n3A_183 : vector<512x1xf32> to vector<512x128xf32>
        %mul3A_188 = arith.mulf %mul3A_187, %get3A_3 : vector<512x128xf32>
        %reduce_sum3A_189 = arith.constant dense<0.000000e+00> : vector<128xf32>
        %reduce_sum3A_190 = vector.multi_reduction <add>, %mul3A_188, %reduce_sum3A_189 [0] : vector<512x128xf32> to vector<128xf32>
        %broadcast_in_dim3A_191 = vector.shape_cast %reduce_sum3A_190 : vector<128xf32> to vector<1x128xf32>
        %add3A_192 = arith.addf %get3A_186, %broadcast_in_dim3A_191 : vector<1x128xf32>
        %swap3A_193 = arith.index_cast %while3A_178 : i32 to index
        %swap3A_194 = arith.constant 0 : index
        %swap3A_195 = vector.load %arg10[%swap3A_193, %swap3A_194] : memref<514x128xf32, #tpu.memory_space<vmem>>, vector<1x128xf32>
        tpu.vector_store %arg10[%swap3A_193, %swap3A_194], %add3A_192 {strides = array<i32>} : memref<514x128xf32, #tpu.memory_space<vmem>>, vector<1x128xf32>,
        %get3A_196 = arith.index_cast %while3A_178 : i32 to index
        %get3A_197 = arith.constant 0 : index
        %get3A_198 = vector.load %arg11[%get3A_196, %get3A_197] : memref<514x128xf32, #tpu.memory_space<vmem>>, vector<1x128xf32>
        %jit3A_199 = arith.constant 0.000000e+00 : f32
        %broadcast_in_dim3A_200 = vector.shape_cast %eq3A_180 : vector<512x1xi1> to vector<512x1xi1>
        %broadcast_in_dim3A_201 = vector.broadcast %broadcast_in_dim3A_200 : vector<512x1xi1> to vector<512x128xi1>
        %broadcast_in_dim3A_202 = vector.broadcast %jit3A_199 : f32 to vector<512x128xf32>
        %select_n3A_203 = arith.select %broadcast_in_dim3A_201, %get3A_3, %broadcast_in_dim3A_202 : vector<512x128xi1>, vector<512x128xf32>
        %reduce_sum3A_204 = arith.constant dense<0.000000e+00> : vector<128xf32>
        %reduce_sum3A_205 = vector.multi_reduction <add>, %select_n3A_203, %reduce_sum3A_204 [0] : vector<512x128xf32> to vector<128xf32>
        %broadcast_in_dim3A_206 = vector.shape_cast %reduce_sum3A_205 : vector<128xf32> to vector<1x128xf32>
        %add3A_207 = arith.addf %get3A_198, %broadcast_in_dim3A_206 : vector<1x128xf32>
        %swap3A_208 = arith.index_cast %while3A_178 : i32 to index
        %swap3A_209 = arith.constant 0 : index
        %swap3A_210 = vector.load %arg11[%swap3A_208, %swap3A_209] : memref<514x128xf32, #tpu.memory_space<vmem>>, vector<1x128xf32>
        tpu.vector_store %arg11[%swap3A_208, %swap3A_209], %add3A_207 {strides = array<i32>} : memref<514x128xf32, #tpu.memory_space<vmem>>, vector<1x128xf32>,
        %get3A_211 = arith.index_cast %while3A_178 : i32 to index
        %get3A_212 = arith.constant 0 : index
        %get3A_213 = vector.load %arg12[%get3A_211, %get3A_212] : memref<514x128xf32, #tpu.memory_space<vmem>>, vector<1x128xf32>
        %jit3A_214 = arith.constant 0xFF800000 : f32
        %broadcast_in_dim3A_215 = vector.shape_cast %eq3A_180 : vector<512x1xi1> to vector<512x1xi1>
        %broadcast_in_dim3A_216 = vector.broadcast %broadcast_in_dim3A_215 : vector<512x1xi1> to vector<512x128xi1>
        %broadcast_in_dim3A_217 = vector.broadcast %jit3A_214 : f32 to vector<512x128xf32>
        %select_n3A_218 = arith.select %broadcast_in_dim3A_216, %get3A_3, %broadcast_in_dim3A_217 : vector<512x128xi1>, vector<512x128xf32>
        %reduce_max3A_219 = arith.constant dense<0xFF800000> : vector<128xf32>
        %reduce_max3A_220 = vector.multi_reduction <maximumf>, %select_n3A_218, %reduce_max3A_219 [0] : vector<512x128xf32> to vector<128xf32>
        %broadcast_in_dim3A_221 = vector.shape_cast %reduce_max3A_220 : vector<128xf32> to vector<1x128xf32>
        %max3A_222 = arith.maximumf %get3A_213, %broadcast_in_dim3A_221 : vector<1x128xf32>
        %swap3A_223 = arith.index_cast %while3A_178 : i32 to index
        %swap3A_224 = arith.constant 0 : index
        %swap3A_225 = vector.load %arg12[%swap3A_223, %swap3A_224] : memref<514x128xf32, #tpu.memory_space<vmem>>, vector<1x128xf32>
        tpu.vector_store %arg12[%swap3A_223, %swap3A_224], %max3A_222 {strides = array<i32>} : memref<514x128xf32, #tpu.memory_space<vmem>>, vector<1x128xf32>,
        %get3A_226 = arith.index_cast %while3A_178 : i32 to index
        %get3A_227 = arith.constant 0 : index
        %get3A_228 = vector.load %arg13[%get3A_226, %get3A_227] : memref<514x1xf32, #tpu.memory_space<vmem>>, vector<1x1xf32>
        %reduce_sum3A_229 = arith.constant dense<0.000000e+00> : vector<1xf32>
        %reduce_sum3A_230 = vector.multi_reduction <add>, %select_n3A_183, %reduce_sum3A_229 [0] : vector<512x1xf32> to vector<1xf32>
        %broadcast_in_dim3A_231 = vector.shape_cast %reduce_sum3A_230 : vector<1xf32> to vector<1x1xf32>
        %add3A_232 = arith.addf %get3A_228, %broadcast_in_dim3A_231 : vector<1x1xf32>
        %swap3A_233 = arith.index_cast %while3A_178 : i32 to index
        %swap3A_234 = arith.constant 0 : index
        %swap3A_235 = vector.load %arg13[%swap3A_233, %swap3A_234] : memref<514x1xf32, #tpu.memory_space<vmem>>, vector<1x1xf32>
        tpu.vector_store %arg13[%swap3A_233, %swap3A_234], %add3A_232 {strides = array<i32>} : memref<514x1xf32, #tpu.memory_space<vmem>>, vector<1x1xf32>,
      }
    } else {
    }
    %eq3A_161 = arith.constant 625 : i32
    %eq3A_162 = arith.cmpi eq, %arg0, %eq3A_161 : i32
    %convert_element_type3A_163 = arith.extui %eq3A_162 : i1 to i32
    %cond3A_164 = arith.constant 0 : i32
    %cond3A_165 = arith.cmpi ne, %convert_element_type3A_163, %cond3A_164 : i32
    scf.if %cond3A_165 {
      %get3A_166 = arith.constant 0 : index
      %get3A_167 = arith.constant 0 : index
      %get3A_168 = vector.load %arg10[%get3A_166, %get3A_167] : memref<514x128xf32, #tpu.memory_space<vmem>>, vector<512x128xf32>
      %get3A_169 = arith.constant 0 : index
      %get3A_170 = arith.constant 0 : index
      %get3A_171 = vector.load %arg13[%get3A_169, %get3A_170] : memref<514x1xf32, #tpu.memory_space<vmem>>, vector<512x1xf32>
      %max3A_172 = arith.constant 1.000000e-16 : f32
      %max3A_173 = vector.broadcast %max3A_172 : f32 to vector<512x1xf32>
      %max3A_174 = arith.maximumf %get3A_171, %max3A_173 : vector<512x1xf32>
      %div3A = vector.broadcast %max3A_174 : vector<512x1xf32> to vector<512x128xf32>
      %div3A_175 = arith.divf %get3A_168, %div3A : vector<512x128xf32>
      %get3A_176 = arith.constant 0 : index
      %get3A_177 = arith.constant 0 : index
      %get3A_178 = vector.load %arg12[%get3A_176, %get3A_177] : memref<514x128xf32, #tpu.memory_space<vmem>>, vector<512x128xf32>
      %eq3A_179 = arith.constant 0xFF800000 : f32
      %eq3A_180 = vector.broadcast %eq3A_179 : f32 to vector<512x128xf32>
      %eq3A_181 = arith.cmpf oeq, %get3A_178, %eq3A_180 : vector<512x128xf32>
      %jit3A_182 = arith.constant 0.000000e+00 : f32
      %broadcast_in_dim3A_183 = vector.broadcast %jit3A_182 : f32 to vector<512x128xf32>
      %select_n3A_184 = arith.select %eq3A_181, %broadcast_in_dim3A_183, %get3A_178 : vector<512x128xi1>, vector<512x128xf32>
      %get3A_185 = arith.constant 0 : index
      %get3A_186 = arith.constant 0 : index
      %get3A_187 = vector.load %arg6[%get3A_185, %get3A_186] : memref<384x128xf32, #tpu.memory_space<vmem>>, vector<128x128xf32>
      %get3A_188 = arith.constant 256 : index
      %get3A_189 = arith.constant 0 : index
      %get3A_190 = vector.load %arg6[%get3A_188, %get3A_189] : memref<384x128xf32, #tpu.memory_space<vmem>>, vector<128x128xf32>
      %dot_general3A_191 = arith.constant dense<0.000000e+00> : vector<512x128xf32>
      %dot_general3A_192 = tpu.matmul %div3A_175, %get3A_187, %dot_general3A_191 {dimension_numbers = #tpu.dot_dimension_numbers<[1], [0], [0], [1], [0, 0, 1, 1], [], []>, transpose_lhs_hint = false} : vector<512x128xf32>, vector<128x128xf32>, vector<512x128xf32> -> vector<512x128xf32>
      %dot_general3A_193 = arith.constant dense<0.000000e+00> : vector<512x128xf32>
      %dot_general3A_194 = tpu.matmul %select_n3A_184, %get3A_190, %dot_general3A_193 {dimension_numbers = #tpu.dot_dimension_numbers<[1], [0], [0], [1], [0, 0, 1, 1], [], []>, transpose_lhs_hint = false} : vector<512x128xf32>, vector<128x128xf32>, vector<512x128xf32> -> vector<512x128xf32>
      %add3A_195 = arith.addf %dot_general3A_192, %dot_general3A_194 : vector<512x128xf32>
      %get3A_196 = arith.constant 0 : index
      %get3A_197 = arith.constant 0 : index
      %get3A_198 = vector.load %arg7[%get3A_196, %get3A_197] : memref<1x128xf32, #tpu.memory_space<vmem>>, vector<1x128xf32>
      %add3A_199 = vector.broadcast %get3A_198 : vector<1x128xf32> to vector<512x128xf32>
      %add3A_200 = arith.addf %add3A_195, %add3A_199 : vector<512x128xf32>
      %swap3A_201 = arith.constant 0 : index
      %swap3A_202 = arith.constant 0 : index
      %swap3A_203 = vector.load %arg8[%swap3A_201, %swap3A_202] : memref<512x128xf32, #tpu.memory_space<vmem>>, vector<512x128xf32>
      tpu.vector_store %arg8[%swap3A_201, %swap3A_202], %add3A_200 {strides = array<i32>} : memref<512x128xf32, #tpu.memory_space<vmem>>, vector<512x128xf32>,
      %get3A_204 = arith.constant 0 : index
      %get3A_205 = arith.constant 0 : index
      %get3A_206 = vector.load %arg11[%get3A_204, %get3A_205] : memref<514x128xf32, #tpu.memory_space<vmem>>, vector<512x128xf32>
      %swap3A_207 = arith.constant 0 : index
      %swap3A_208 = arith.constant 0 : index
      %swap3A_209 = vector.load %arg9[%swap3A_207, %swap3A_208] : memref<512x128xf32, #tpu.memory_space<vmem>>, vector<512x128xf32>
      tpu.vector_store %arg9[%swap3A_207, %swap3A_208], %get3A_206 {strides = array<i32>} : memref<512x128xf32, #tpu.memory_space<vmem>>, vector<512x128xf32>,
    } else {
    }
    return
  }
  func.func @transform_0(%arg0: i32) -> (i32, i32) {
    %c0_i32 = arith.constant 0 : i32
    %c0_i32_0 = arith.constant 0 : i32
    %c0_i32_1 = arith.constant 0 : i32
    return %c0_i32, %c0_i32_0 : i32, i32
  }
  func.func @transform_1(%arg0: i32) -> (i32, i32, i32) {
    %min3A = arith.constant 624 : i32
    %min3A_0 = arith.minsi %arg0, %min3A : i32
    %c0_i32 = arith.constant 0 : i32
    %c0_i32_1 = arith.constant 0 : i32
    %c0_i32_2 = arith.constant 0 : i32
    return %min3A_0, %c0_i32, %c0_i32_1 : i32, i32, i32
  }
  func.func @transform_2(%arg0: i32) -> (i32, i32) {
    %min3A = arith.constant 624 : i32
    %min3A_0 = arith.minsi %arg0, %min3A : i32
    %c0_i32 = arith.constant 0 : i32
    %c0_i32_1 = arith.constant 0 : i32
    return %min3A_0, %c0_i32 : i32, i32
  }
  func.func @transform_3(%arg0: i32) -> (i32, i32) {
    %c0_i32 = arith.constant 0 : i32
    %c0_i32_0 = arith.constant 0 : i32
    %c0_i32_1 = arith.constant 0 : i32
    return %c0_i32, %c0_i32_0 : i32, i32
  }
  func.func @transform_4(%arg0: i32) -> (i32, i32) {
    %c0_i32 = arith.constant 0 : i32
    %c0_i32_0 = arith.constant 0 : i32
    %c0_i32_1 = arith.constant 0 : i32
    return %c0_i32, %c0_i32_0 : i32, i32
  }
  func.func @transform_5(%arg0: i32) -> (i32, i32) {
    %c0_i32 = arith.constant 0 : i32
    %c0_i32_0 = arith.constant 0 : i32
    %c0_i32_1 = arith.constant 0 : i32
    return %c0_i32, %c0_i32_0 : i32, i32
  }
  func.func @transform_6(%arg0: i32) -> (i32, i32) {
    %c0_i32 = arith.constant 0 : i32
    %c0_i32_0 = arith.constant 0 : i32
    %c0_i32_1 = arith.constant 0 : i32
    return %c0_i32, %c0_i32_0 : i32, i32
  }
  func.func @transform_7(%arg0: i32) -> (i32, i32) {
    %c0_i32 = arith.constant 0 : i32
    %c0_i32_0 = arith.constant 0 : i32
    %c0_i32_1 = arith.constant 0 : i32
    return %c0_i32, %c0_i32_0 : i32, i32
  }
  func.func @transform_8(%arg0: i32) -> (i32, i32) {
    %c0_i32 = arith.constant 0 : i32
    %c0_i32_0 = arith.constant 0 : i32
    %c0_i32_1 = arith.constant 0 : i32
    return %c0_i32, %c0_i32_0 : i32, i32
  }
}

module attributes {stable_mosaic.version = 14 : i64} {
  func.func @_merge_kernel(%arg0: memref<512x128xf32, #tpu.memory_space<vmem>>, %arg1: memref<512x128xf32, #tpu.memory_space<vmem>>, %arg2: memref<512x512xf32, #tpu.memory_space<vmem>>, %arg3: memref<128x128xf32, #tpu.memory_space<vmem>>, %arg4: memref<512x128xf32, #tpu.memory_space<vmem>>) attributes {dimension_semantics = [], scalar_prefetch = 0 : i64, scratch_operands = 0 : i64, tpu.core_type = #tpu.core_type<tc>} {
    %get3A = arith.constant 0 : index
    %get3A_0 = arith.constant 0 : index
    %get3A_1 = vector.load %arg2[%get3A, %get3A_0] : memref<512x512xf32, #tpu.memory_space<vmem>>, vector<512x512xf32>
    %reduce_sum3A = arith.constant dense<0.000000e+00> : vector<512xf32>
    %reduce_sum3A_2 = vector.multi_reduction <add>, %get3A_1, %reduce_sum3A [0] : vector<512x512xf32> to vector<512xf32>
    %broadcast_in_dim3A = vector.shape_cast %reduce_sum3A_2 : vector<512xf32> to vector<1x512xf32>
    %transpose3A = tpu.transpose %broadcast_in_dim3A, [1, 0] : vector<1x512xf32> -> vector<512x1xf32>
    %get3A_3 = arith.constant 0 : index
    %get3A_4 = arith.constant 0 : index
    %get3A_5 = vector.load %arg1[%get3A_3, %get3A_4] : memref<512x128xf32, #tpu.memory_space<vmem>>, vector<512x128xf32>
    %max3A = arith.constant 1.000000e+00 : f32
    %max3A_6 = vector.broadcast %max3A : f32 to vector<512x1xf32>
    %max3A_7 = arith.maximumf %transpose3A, %max3A_6 : vector<512x1xf32>
    %div3A = vector.broadcast %max3A_7 : vector<512x1xf32> to vector<512x128xf32>
    %div3A_8 = arith.divf %get3A_5, %div3A : vector<512x128xf32>
    %get3A_9 = arith.constant 0 : index
    %get3A_10 = arith.constant 0 : index
    %get3A_11 = vector.load %arg0[%get3A_9, %get3A_10] : memref<512x128xf32, #tpu.memory_space<vmem>>, vector<512x128xf32>
    %get3A_12 = arith.constant 0 : index
    %get3A_13 = arith.constant 0 : index
    %get3A_14 = vector.load %arg3[%get3A_12, %get3A_13] : memref<128x128xf32, #tpu.memory_space<vmem>>, vector<128x128xf32>
    %dot_general3A = arith.constant dense<0.000000e+00> : vector<512x128xf32>
    %dot_general3A_15 = tpu.matmul %div3A_8, %get3A_14, %dot_general3A {dimension_numbers = #tpu.dot_dimension_numbers<[1], [0], [0], [1], [0, 0, 1, 1], [], []>, transpose_lhs_hint = false} : vector<512x128xf32>, vector<128x128xf32>, vector<512x128xf32> -> vector<512x128xf32>
    %add3A = arith.addf %get3A_11, %dot_general3A_15 : vector<512x128xf32>
    %swap3A = arith.constant 0 : index
    %swap3A_16 = arith.constant 0 : index
    %swap3A_17 = vector.load %arg4[%swap3A, %swap3A_16] : memref<512x128xf32, #tpu.memory_space<vmem>>, vector<512x128xf32>
    tpu.vector_store %arg4[%swap3A, %swap3A_16], %add3A {strides = array<i32>} : memref<512x128xf32, #tpu.memory_space<vmem>>, vector<512x128xf32>,
    return
  }
}

</mosaic_0001>

<sc_bundles>
// kernel: _pooling.5.cloned.1.call-start
scs
__scs_entry_jumppad:
0x0: {  	(pc) =	sbr.rel $0x88, $3  }
0x1: {  	(tag) =	ssettag $0x0;
	lr =	simm.s32 $0x1  }
0x2: {  	[smem:$0x3F9B] =	sst lr;
	_ =	strace $0xD0000000  }
0x3: {  	_ = 	snop  }
0x4: {  	_ = 	snop  }
0x5: {  	_ = 	snop  }
0x6: {  	_ = 	snop  }
0x7: {  	_ = 	snop  }
__scs_overlays_trampoline_lowered:
0x8: {  	[smem:$0x3FAA] =	sst s0  }
0x9: {  	[smem:$0x3FAB] =	sst s1  }
0xa: {  	[smem:$0x3FAC] =	sst s2  }
0xb: {  	[smem:$0x3FAD] =	sst s3  }
0xc: {  	[smem:$0x3FAE] =	sst s4  }
0xd: {  	[smem:$0x3FAF] =	sst s5  }
0xe: {  	[smem:$0x3FB0] =	sst s6  }
0xf: {  	[smem:$0x3FB1] =	sst s7  }
0x10: {  	[smem:$0x3FB2] =	sst s8  }
0x11: {  	[smem:$0x3FB3] =	sst s9;
	s0 =	simm.s32 @!p0 $0x0  }
0x12: {  	s1 =	sld [smem:$0x3F99];
	s0 =	simm.s32 @p0 $0x1  }
0x13: {  	[smem:$0x3FB4] =	sst s0;
	s0 =	simm.s32 @!p1 $0x0  }
0x14: {  	s2 =	sld [smem:$0x3F98];
	s0 =	simm.s32 @p1 $0x1  }
0x15: {  	[smem:$0x3FB5] =	sst s0;
	s0 =	simm.s32 @!p2 $0x0  }
0x16: {  	s3 =	sld [smem:$0x3FDB];
	s0 =	simm.s32 @p2 $0x1  }
0x17: {  	s4 =	simm.s32 $0x1BF5;
	[smem:$0x3FB7] =	sst s0  }
0x18: {  	s0 =	sld [smem:$0x3F9A];
	_ =	swait.ge [sflag:s4], $0x0  }
0x19: {  	s7 =	sld [smem:$0x3F9B]  }
0x1a: {  	s8 =	sadd.s32 $0xFFFFE003, lr  }
0x1b: {  	s9 =	sadd.s32 $0xFFFFFEF7, lr;
	s5 =	simm.s32 $0xFFFFFFFF;
	p2 =	slt.u32 s8, $0xFFFFF086  }
0x1c: {  	p1 =	slt.u32 s9, $0xF7A;
	s5 =	simm.s32 @!p2 $0x0  }
0x1d: {  	s5 =	simm.s32 @p1 $0x1;
	p0 =	seq.s32 s7, s2  }
0x1e: {  	s7 =	smul.u32 @!p0 $0xF7A, s2;
	p2 =	seq.s32 @!p0 s5, $0x0  }
0x1f: {  	s9 =	smul.u32 $0xF7A, s1;
	s8 =	simm.s32 @!p0 $0x1BF5;
	p2 =	por !p2, p0  }
0x20: {  	[sflag:s8] =	ssyncset.s32 @!p0 $0xFFFFF086;
	s6 =	sadd.s32 @!p0 s3, s7;
	s7 =	simm.s32 @!p0 $0x108  }
0x21: {  	s3 =	sadd.s32 s3, s9;
	s6 =	sadd.s32 @!p0 $0x88, s6;
	s7 =	simm.s32 @p2 $0x1082  }
0x22: {  	[simem:s7], [sflag:s8] =	dma.local @!p0 [hbm:s6], $0xF7A  }
0x23: {  	s9 =	sor.u32 $0xD0000000, s2;
	s6 =	simm.s32 $0x108;
	_ =	swait.ge @!p0 [sflag:s8], $0x0  }
0x24: {  	s3 =	sadd.s32 $0x88, s3;
	s6 =	simm.s32 @!p1 $0x1082;
	[sflag:s4] =	ssyncset.s32 $0xFFFFF086  }
0x25: {  	[simem:s6], [sflag:s4] =	dma.local [hbm:s3], $0xF7A  }
0x26: {  	[smem:$0x3F9B] =	sst s1;
	(tag) =	ssettag s2;
	_ =	strace s9  }
0x27: {  	s1 =	sld [smem:$0x3FAB]  }
0x28: {  	s2 =	sld [smem:$0x3FAC]  }
0x29: {  	s4 =	sld [smem:$0x3FAE]  }
0x2a: {  	p0 =	seq.s32 s5, $0x0;
	s5 =	sld [smem:$0x3FAF]  }
0x2b: {  	s6 =	sld [smem:$0x3FB0]  }
0x2c: {  	s7 =	sld [smem:$0x3FB1]  }
0x2d: {  	s3 =	simm.s32 $0x108;
	s8 =	sld [smem:$0x3FB2]  }
0x2e: {  	s3 =	simm.s32 @!p0 $0x1082;
	s9 =	sld [smem:$0x3FB3]  }
0x2f: {  	lr =	sadd.s32 s0, s3;
	s0 =	sld [smem:$0x3FAA]  }
0x30: {  	s3 =	sld [smem:$0x3FAD]  }
0x31: {  	[smem:$0x3FB6] =	sst s10  }
0x32: {  	s10 =	sld [smem:$0x3FB4];
	_ =	sdelay $0x3  }
0x33: {  	p0 =	seq.s32 s10, $0x1;
	s10 =	sld [smem:$0x3FB6];
	_ =	sdelay $0x3  }
0x34: {  	[smem:$0x3FB6] =	sst s10  }
0x35: {  	s10 =	sld [smem:$0x3FB5];
	_ =	sdelay $0x3  }
0x36: {  	p1 =	seq.s32 s10, $0x1;
	s10 =	sld [smem:$0x3FB6];
	_ =	sdelay $0x3  }
0x37: {  	[smem:$0x3FB6] =	sst s10  }
0x38: {  	s10 =	sld [smem:$0x3FB7]  }
0x39: {  	_ = 	snop;
	(pc) =	sbr.ind lr, $3  }
0x3a: {  	_ = 	snop  }
0x3b: {  	_ = 	snop  }
0x3c: {  	p2 =	seq.s32 s10, $0x1;
	s10 =	sld [smem:$0x3FB6]  }
0x3d: {  	_ =	shalt  }
0x3e: {  	_ =	shalt  }
0x3f: {  	_ =	shalt  }
0x40: {  	_ =	shalt  }
0x41: {  	_ =	shalt  }
0x42: {  	_ =	shalt  }
0x43: {  	_ =	shalt  }
0x44: {  	_ =	shalt  }
0x45: {  	_ =	shalt  }
0x46: {  	_ =	shalt  }
0x47: {  	_ =	shalt  }
0x48: {  	_ =	shalt  }
0x49: {  	_ =	shalt  }
0x4a: {  	_ =	shalt  }
0x4b: {  	_ =	shalt  }
0x4c: {  	_ =	shalt  }
0x4d: {  	_ =	shalt  }
0x4e: {  	_ =	shalt  }
0x4f: {  	_ =	shalt  }
0x50: {  	_ =	shalt  }
0x51: {  	_ =	shalt  }
0x52: {  	_ =	shalt  }
0x53: {  	_ =	shalt  }
0x54: {  	_ =	shalt  }
0x55: {  	_ =	shalt  }
0x56: {  	_ =	shalt  }
0x57: {  	_ =	shalt  }
0x58: {  	_ =	shalt  }
0x59: {  	_ =	shalt  }
0x5a: {  	_ =	shalt  }
0x5b: {  	_ =	shalt  }
0x5c: {  	_ =	shalt  }
0x5d: {  	_ =	shalt  }
0x5e: {  	_ =	shalt  }
0x5f: {  	_ =	shalt  }
0x60: {  	_ =	shalt  }
0x61: {  	_ =	shalt  }
0x62: {  	_ =	shalt  }
0x63: {  	_ =	shalt  }
0x64: {  	_ =	shalt  }
0x65: {  	_ =	shalt  }
0x66: {  	_ =	shalt  }
0x67: {  	_ =	shalt  }
0x68: {  	_ =	shalt  }
0x69: {  	_ =	shalt  }
0x6a: {  	_ =	shalt  }
0x6b: {  	_ =	shalt  }
0x6c: {  	_ =	shalt  }
0x6d: {  	_ =	shalt  }
0x6e: {  	_ =	shalt  }
0x6f: {  	_ =	shalt  }
0x70: {  	_ =	shalt  }
0x71: {  	_ =	shalt  }
0x72: {  	_ =	shalt  }
0x73: {  	_ =	shalt  }
0x74: {  	_ =	shalt  }
0x75: {  	_ =	shalt  }
0x76: {  	_ =	shalt  }
0x77: {  	_ =	shalt  }
0x78: {  	_ =	shalt  }
0x79: {  	_ =	shalt  }
0x7a: {  	_ =	shalt  }
0x7b: {  	_ =	shalt  }
0x7c: {  	_ =	shalt  }
0x7d: {  	_ =	shalt  }
0x7e: {  	_ =	shalt  }
0x7f: {  	_ =	shalt  }
0x80: {  	_ =	shalt  }
0x81: {  	_ =	shalt  }
0x82: {  	_ =	shalt  }
0x83: {  	_ =	shalt  }
0x84: {  	_ =	shalt  }
0x85: {  	_ =	shalt  }
0x86: {  	_ =	shalt  }
0x87: {  	_ =	shalt  }
.Lfunc_end0:
.L_simem_size_0:
called_computation_lowered:
.L_overlay_start_0:
0x88: {  	s2 =	sld [smem:$0x3FD9]  }
0x89: {  	s3 =	sld [smem:$0x3FFE];
	_ =	sdelay $0x1  }
0x8a: {  	s1 =	srdreg.scid  }
0x8b: {  	s0 =	sand.u32 $0x1, s1  }
0x8c: {  	s17 =	sshll.u32 s0, $0xA;
	s2 =	sadd.s32 s3, s2  }
0x8d: {  	s2 =	sadd.s32 s2, s17  }
0x8e: {  	[smem:$0x3FC2] =	sst s2  }
0x8f: {  	_ = 	snop  }
0x90: {  	s2 =	sld [smem:$0x3FC8];
	(tm) =	ssettm $0x1  }
0x91: {  	s18 =	sld [smem:$0x3FFB];
	_ =	sdelay $0x3  }
0x92: {  	_ =	strace s18  }
0x93: {  	s3 =	sld [smem:$0x3FFC];
	_ =	sdelay $0x3  }
0x94: {  	_ =	strace s3  }
0x95: {  	s3 =	sld [smem:$0x3FFD];
	_ =	sdelay $0x3  }
0x96: {  	_ =	strace s3  }
0x97: {  	_ =	strace $0x8FFFFFFF  }
0x98: {  	s19 =	sld [smem:$0x3FDB];
	_ =	sdelay $0x1  }
0x99: {  	s4 =	simm.s32 $_scs_section_size  }
0x9a: {  	s5 =	simm.s32 $_size__tile_overlayer_lowered;
	s6 =	simm.s32 $_tile_overlayer_lowered  }
0x9b: {  	s22 =	simm.s32 $0x1BFF;
	s21 =	sshll.u32 s6, $0x1;
	s3 =	sadd.s32 s4, s19  }
0x9c: {  	s7 =	simm.s32 $0x0;
	s20 =	sshll.u32 s5, $0x1;
	s5 =	sadd.s32 s21, s3  }
0x9d: {  	[timem:s7], [sflag:s22] =	dma.local [hbm:s5], s20  }
0x9e: {  	_ =	swait.ge [sflag:s22], s20  }
0x9f: {  	s4 =	ssub.s32 $0x0, s20;
	[sflag:s22] =	ssyncset.done $0x0  }
0xa0: {  	[sflag:s22] =	ssyncadd.s32 s4;
	_ =	sdelay $0x1  }
0xa1: {  	s23 =	simm.s32 $0x1B8B  }
0xa2: {  	_ =	swait.ge [sflag:s23], $0x1  }
0xa3: {  	[sflag:s23] =	ssyncset.done $0x0  }
0xa4: {  	s25 =	simm.s32 $0x1B8E;
	s24 =	sld [smem:$0x3FFE];
	[sflag:s23] =	ssyncadd.s32 $0xFFFFFFFF  }
0xa5: {  	s26 =	simm.s32 $execute0_lowered;
	[smem:$0x3FD2] =	sst s25  }
0xa6: {  	s5 =	sshll.u32 s26, $0x1;
	_ =	strace $0x80000046;
	[dreg:$0x1] =	wrdreg $0xFFFFFFFF  }
0xa7: {  	s28 =	simm.s32 $_size_execute0_lowered;
	s3 =	sadd.s32 s3, s5;
	[dreg:$0x0] =	wrdreg $0x0  }
0xa8: {  	s5 =	sshll.u32 s28, $0x1;
	[dreg:$0x2] =	wrdreg s3  }
0xa9: {  	[dreg:$0x3] =	wrdreg s5  }
0xaa: {  	[dreg:$0x4] =	wrdreg $0xC0  }
0xab: {  	_ =	task [dreg:s7], $0x5FFFF  }
0xac: {  	[dreg:$0x1] =	wrdreg $0xFFFFFFFF  }
0xad: {  	[dreg:$0x0] =	wrdreg $0x60  }
0xae: {  	[dreg:$0x2] =	wrdreg s2  }
0xaf: {  	[dreg:$0x3] =	wrdreg s24  }
0xb0: {  	[dreg:$0x4] =	wrdreg $0x9  }
0xb1: {  	_ =	task.clear_ibuf [dreg:s7], $0x5FFFF;
	_ =	strace $0x90000046  }
0xb2: {  	s29 =	simm.s32 $0x9;
	_ =	strace $0x80000048  }
0xb3: {  	_ =	swait.ge [sflag:s29], $0x1  }
0xb4: {  	[sflag:s29] =	ssyncadd.s32 $0xFFFFFFFF  }
0xb5: {  	_ =	strace $0x90000048  }
0xb6: {  	_ =	sfence  }
0xb7: {  	s30 =	sld [smem:$0x0];
	_ =	sdelay $0x2  }
0xb8: {  	s31 =	sshll.u32 s1, $0xD;
	s1 =	sshrl.u32 s1, $0x2  }
0xb9: {  	s3 =	sand.u32 $0x4000, s31;
	s1 =	sadd.s32 s1, s30  }
0xba: {  	s0 =	sor.u32 s3, s0;
	s1 =	sshll.u32 s1, $0x11  }
0xbb: {  	s0 =	sor.u32 s1, s0  }
0xbc: {  	s0 =	sadd.s32 $0x8F2B, s0  }
0xbd: {  	[sflag:s0] =	ssyncadd.remote.s32 $0x1  }
0xbe: {  	_ =	sfence.sel $0xFFFF  }
0xbf: {  	[dreg:$0x0] =	wrdreg $0xFFFFFFFF;
	(pc) =	sbr.abs _section_cstart, $3  }
0xc0: {  	[dreg:$0x1] =	wrdreg $0xFFFFFFFF  }
0xc1: {  	_ =	task.clear_ibuf [dreg:s7], $0x2FFFF;
	_ =	strace $0x9FFFFFFF  }
0xc2: {  	(tm) =	ssettm $0x7FFFFFFF  }
0xc3: {  	_ =	shalt  }
tec
execute0_lowered:
.L_overlay_start_1:
0x0: {  	(tag) =	ssettag $0x1  }
0x1: {  	v0 =	vimm.s32 $0x1380;
	vm0 =	vcmask $0x300  }
0x2: {  	vm14 =	vcmask $0x704;
	v0 =	vsel vm0, $0x0, v0  }
0x3: {  	vm15 =	vcmask $0xB08;
	v0 =	vsel vm14, $0x80, v0  }
0x4: {  	vm4 =	vcmask $0xF0C;
	v0 =	vsel vm15, $0x100, v0  }
0x5: {  	vm5 =	vcmask $0x1310;
	v0 =	vsel vm4, $0x180, v0  }
0x6: {  	vm6 =	vcmask $0x1714;
	v0 =	vsel vm5, $0x200, v0  }
0x7: {  	vm7 =	vcmask $0x1B18;
	v0 =	vsel vm6, $0x280, v0  }
0x8: {  	s3 =	rddreg [dreg:$0x0];
	vm8 =	vcmask $0x1F1C;
	v0 =	vsel vm7, $0x300, v0  }
0x9: {  	s4 =	rddreg [dreg:$0x1];
	s1 =	srdreg.scid;
	vm9 =	vcmask $0x2320;
	v0 =	vsel vm8, $0x380, v0  }
0xa: {  	s0 =	rddreg [dreg:$0x2];
	vm10 =	vcmask $0x2724;
	s5 =	sand.u32 $0x1, s1;
	v0 =	vsel vm9, $0x1000, v0  }
0xb: {  	s2 =	simm.s32 $0x0;
	vm11 =	vcmask $0x2B28;
	s1 =	stileid.u32;
	s6 =	sshll.u32 s5, $0x4;
	v0 =	vsel vm10, $0x1080, v0  }
0xc: {  	vm12 =	vcmask $0x2F2C;
	[smem:$0x7FF] =	sst s2;
	s5 =	ssub.s32 $0x2, s5;
	s6 =	sor.u32 s1, s6;
	v0 =	vsel vm11, $0x1100, v0  }
0xd: {  	vm13 =	vcmask $0x3330;
	_ =	strace $0x80000047;
	s8 =	sshrl.u32 s5, $0x1;
	s7 =	sshll.u32 s6, $0xA;
	v0 =	vsel vm12, $0x1180, v0  }
0xe: {  	vm14 =	vcmask $0x3734;
	s6 =	smul.u32 $0x4E2, s6;
	s5 =	ssub.s32 s5, s8;
	s8 =	simm.s32 $0x0;
	v0 =	vsel vm13, $0x1200, v0  }
0xf: {  	vm15 =	vcmask $0x3B38;
	s4 =	sadd.s32 s7, s4;
	s5 =	smax.u32 s5, $0x1;
	s7 =	simm.s32 $0x2780;
	v1 =	vsel vm14, $0x1280, v0  }
0x10: {  	v2 =	vimm.f32 $1.000000000e+00;
	s3 =	sadd.s32 s3, s6;
	s4 =	sadd.s32 $0x1000, s4;
	s6 =	simm.s32 $0x1;
	v0 =	vimm.f32 $0.0e+00;
	v1 =	vsel vm15, $0x1300, v1  }
.LBB2_1:
0x11: {  	[tilespmem:s2], [sflag:$0x1] =	stream.linear.gather [hbm4b:s3+s2], $0x2710, $0x38;
	[tilespmem:$0x4780] =	vst v63  }
0x12: {  	_ =	swait.ge [sflag:s6], $0x2710  }
0x13: {  	[sflag:s6] =	ssyncset.done $0x0  }
0x14: {  	s9 =	simm.s32 $0x0;
	[sflag:s6] =	ssyncadd.s32 $0xFFFFD8F0  }
.LBB2_2:
0x15: {  	s10 =	sshll.u32 s9, $0x9;
	s11 =	sshll.u32 s9, $0x7  }
0x16: {  	s10 =	sand.u32 $0x1000, s10;
	s11 =	sand.u32 $0x380, s11  }
0x17: {  	s11 =	sor.u32 s11, s10;
	s10 =	simm.s32 $0x0  }
0x18: {  	s11 =	sadd.s32 $0x2780, s11;
	s12 =	sand.u32 $0xC00, s10  }
0x19: {  	s13 =	sand.u32 $0x70, s10;
	s14 =	sadd.s32 s12, s11  }
0x1a: {  	s12 =	simm.s32 $0x10;
	s13 =	sadd.s32 s13, s14  }
.LBB2_3:
0x1b: {  	p0 =	sne.s32 s12, $0x1F0  }
0x1c: {  	[tilespmem:s13+$0x0] =	vst v0;
	s10 =	sadd.s32 $0x80, s10;
	s13 =	smov.u32 s12;
	s12 =	sadd.s32 $0x10, s12  }
.Ltmp0:
0x1d: {  	(pc) =	sbr.rel @p0 .LBB2_3-.Ltmp0, $4  }
0x1e: {  	_ = 	snop  }
0x1f: {  	s14 =	sand.u32 $0xC00, s10  }
0x20: {  	s13 =	sand.u32 $0x70, s13;
	s14 =	sadd.s32 s14, s11  }
0x21: {  	s13 =	sadd.s32 s13, s14  }
0x22: {  	s9 =	sadd.s32 $0x1, s9  }
0x23: {  	p0 =	sne.s32 s9, $0x10  }
.Ltmp1:
0x24: {  	_ = 	snop;
	(pc) =	sbr.rel @p0 .LBB2_2-.Ltmp1, $2  }
0x25: {  	_ =	sdelay $0x2  }
0x26: {  	[tilespmem:s13+$0x0] =	vst v0  }
0x27: {  	s10 =	simm.s32 $0x0;
	s9 =	simm.s32 $0x40  }
.LBB2_6:
0x28: {  	p0 =	sne.s32 s9, $0x9C00;
	v3 =	vld [tilespmem:s10+$0x0];
	_ =	sdelay $0x4  }
0x29: {  	v4 =	vshll.u32 v3, $0x3  }
0x2a: {  	v3 =	vand.u32 $0x7F, v3;
	v4 =	vand.u32 $0xFFFFFC00, v4  }
0x2b: {  	v3 =	vor.u32 v3, v4  }
0x2c: {  	v3 =	vadd.s32 v1, v3  }
.Ltmp2:
0x2d: {  	(pc) =	sbr.rel @p0 .LBB2_6-.Ltmp2, $2  }
0x2e: {  	_ =	sdelay $0x2  }
0x2f: {  	s10 =	sshra.s32 s9, $0x2;
	s9 =	sadd.s32 $0x40, s9;
	[tilespmem:v3+s7+$0x0] =	vst.idx.add.f32.msk $0xffff, v2  }
0x30: {  	v3 =	vld [tilespmem:s10+$0x0];
	_ =	sdelay $0x4  }
0x31: {  	v4 =	vshll.u32 v3, $0x3  }
0x32: {  	v3 =	vand.u32 $0x7F, v3;
	v4 =	vand.u32 $0xFFFFFC00, v4  }
0x33: {  	v3 =	vor.u32 v3, v4  }
0x34: {  	v3 =	vadd.s32 v1, v3;
	_ =	sdelay $0x2  }
0x35: {  	s8 =	sadd.s32 $0x1, s8  }
0x36: {  	p0 =	sne.s32 s8, s5  }
.Ltmp3:
0x37: {  	[tilespmem:v3+s7+$0x0] =	vst.idx.add.f32.msk $0xffff, v2;
	(pc) =	sbr.rel @p0 .LBB2_1-.Ltmp3, $4  }
0x38: {  	[hbm4b:s4+s2] =	stream.linear.scatter [tilespmem:s7], [sflag:$0x1], $0x2000, $0x38;
	[tilespmem:$0x4780] =	vst v63  }
0x39: {  	_ =	swait.ge [sflag:s6], $0x2000  }
0x3a: {  	[sflag:s6] =	ssyncset.done $0x0  }
0x3b: {  	[sflag:s6] =	ssyncadd.s32 $0xFFFFE000  }
0x3c: {  	_ =	sfence.sel $0x180000  }
0x3d: {  	[bflag:$0x0] =	sbarrier.arrive $0xFFFF  }
0x3e: {  	p0 =	sne.s32 s1, $0x0;
	_ =	strace $0x90000047  }
0x3f: {  	s0 =	sadd.s32 @!p0 $0x100000, s0;
	[bflag:$0x2] =	sbarrier.arrive $0xFFFF  }
0x40: {  	[sflag:s0] =	ssyncadd.tile.s32 @!p0 $0x1;
	_ =	shalt  }
.Lfunc_end2:
_tile_overlayer_lowered:
.L_overlay_start_2:
0x41: {  	(tag) =	ssettag $0x2  }
0x42: {  	s0 =	rddreg [dreg:$0x0];
	s2 =	stileid.u32  }
0x43: {  	s1 =	rddreg [dreg:$0x1];
	p0 =	sne.s32 s2, $0x0  }
0x44: {  	s3 =	rddreg [dreg:$0x2];
	[bflag:$0x3] =	sbarrier.arrive $0xFFFF;
	s2 =	simm.s32 @!p0 $0x1C01  }
0x45: {  	[timem:s3], [sflag:s2] =	dma.local @!p0 [hbm:s0], s1  }
0x46: {  	s0 =	simm.s32 @!p0 $0x1  }
0x47: {  	_ =	swait.ge @!p0 [sflag:s0], s1  }
0x48: {  	s1 =	ssub.s32 @!p0 $0x0, s1;
	[sflag:s0] =	ssyncset.done @!p0 $0x0  }
0x49: {  	[sflag:s0] =	ssyncadd.s32 @!p0 s1  }
0x4a: {  	[bflag:$0x3] =	sbarrier.arrive $0xFFFF  }
0x4b: {  	_ =	shalt  }

</sc_bundles>
